<compile_context>
chip_gen: v7x
topology: tpu7x:2x2x1
jax: 0.10.2.dev20260603
libtpu: 0.0.44.dev20260713+nightly
codegen_flags: <defaults>
</compile_context>

<pallas_src>
import functools

import jax
import jax.numpy as jnp
from jax import lax
from jax.experimental import pallas as pl
from jax.experimental.pallas import tpu as pltpu
from jax.experimental.pallas import tpu_sc as plsc

VOCAB = 100000
EMB = 256
D1 = 256
D2 = 128


_BLK = 10000


def _mlp_body(t_ref, w1_ref, b1_ref, w2_ref, b2_ref, o_ref):
    h = jnp.dot(t_ref[...], w1_ref[...], preferred_element_type=jnp.float32)
    h = jnp.maximum(h + b1_ref[...], 0.0)
    o = jnp.dot(h, w2_ref[...], preferred_element_type=jnp.float32)
    o_ref[...] = jnp.maximum(o + b2_ref[...], 0.0)


def _fuse_table(table, W1, b1, W2, b2):
    grid = (VOCAB // _BLK,)
    return pl.pallas_call(
        _mlp_body,
        grid=grid,
        in_specs=[
            pl.BlockSpec((_BLK, EMB), lambda i: (i, 0)),
            pl.BlockSpec((EMB, D1), lambda i: (0, 0)),
            pl.BlockSpec((1, D1), lambda i: (0, 0)),
            pl.BlockSpec((D1, D2), lambda i: (0, 0)),
            pl.BlockSpec((1, D2), lambda i: (0, 0)),
        ],
        out_specs=pl.BlockSpec((_BLK, D2), lambda i: (i, 0)),
        out_shape=jax.ShapeDtypeStruct((VOCAB, D2), jnp.float32),
    )(table, W1, b1.reshape(1, D1), W2, b2.reshape(1, D2))



_NC = 2
_NS = 16
_NW = _NC * _NS
_CH = 128
_NB = 5
_PF = 3


def _make_gather(n_tokens):
    assert n_tokens % (_NW * _CH) == 0
    n_ch = n_tokens // (_NW * _CH)
    b_per_w = n_ch * _CH
    mesh = plsc.VectorSubcoreMesh(core_axis_name="c", subcore_axis_name="s")

    @functools.partial(
        pl.kernel,
        out_type=jax.ShapeDtypeStruct((n_tokens, D2), jnp.float32),
        mesh=mesh,
        scratch_types=[
            pltpu.VMEM((n_ch, _CH), jnp.int32),
            pltpu.VMEM((_NB, _CH, D2), jnp.float32),
        ]
        + [pltpu.SemaphoreType.DMA] * (2 * _NB),
    )
    def gather_k(f_hbm, idx_hbm, out_hbm, idx_v, rows_v, *sems):
        gsem = sems[:_NB]
        ssem = sems[_NB:]
        wid = lax.axis_index("s") * _NC + lax.axis_index("c")
        pltpu.sync_copy(idx_hbm.at[wid], idx_v)
        base = wid * b_per_w

        def start_gather(j, b):
            pltpu.make_async_copy(f_hbm.at[idx_v.at[j]], rows_v.at[b], gsem[b]).start()

        def wait_gather(b):
            pltpu.make_async_copy(f_hbm.at[idx_v.at[0]], rows_v.at[b], gsem[b]).wait()

        def start_scatter(j, b):
            pltpu.make_async_copy(
                rows_v.at[b], out_hbm.at[pl.ds(base + j * _CH, _CH)], ssem[b]
            ).start()

        def wait_scatter(b):
            pltpu.make_async_copy(
                rows_v.at[b], out_hbm.at[pl.ds(base, _CH)], ssem[b]
            ).wait()

        for p in range(_PF):
            start_gather(p, p)

        @pl.loop(0, n_ch, step=_NB)
        def _(j):
            for b in range(_NB):
                jj = j + b
                wait_gather(b)
                start_scatter(jj, b)
                nxt = jj + _PF
                bn = (b + _PF) % _NB

                @pl.when(nxt < n_ch)
                def _():
                    @pl.when(nxt >= _NB)
                    def _():
                        wait_scatter(bn)

                    start_gather(nxt, bn)

        for b in range(_NB):
            wait_scatter(b)

    return gather_k


_gather_tokens = _make_gather(1024 * 200)


def kernel(inputs, table, W1, b1, W2, b2, is_training):
    fused = _fuse_table(table, W1, b1, W2, b2)
    b, t = inputs.shape
    idx3d = inputs.astype(jnp.int32).reshape(_NW, b * t // (_NW * _CH), _CH)
    out = _gather_tokens(fused, idx3d)
    return out.reshape(b, t, D2)

# --- scband reference (transcript-rebuilt; emitter-appended) ---
"""Pipeline reference for scband-encoder-prenet-40802189312749 (READ-ONLY COPY).

The authoritative reference and input builder live on the scoring server;
editing this copy changes nothing except your own understanding.
"""

import jax, jax.numpy as jnp
import numpy as np

VOCAB = 100000
EMB = 256
D1 = 256
D2 = 128
BATCH = 1024
T = 200

def setup_inputs(seed: int = 0) -> dict:
    key = jax.random.key(seed)
    k1, k2, k3, k4 = jax.random.split(key, 4)
    inputs = jax.random.randint(k1, (BATCH, T), 0, VOCAB)
    table = jax.random.normal(k2, (VOCAB, EMB), dtype=jnp.float32) * 0.02
    W1 = jax.random.normal(k3, (EMB, D1), dtype=jnp.float32) * 0.05
    b1 = jnp.zeros((D1,), dtype=jnp.float32)
    W2 = jax.random.normal(k4, (D1, D2), dtype=jnp.float32) * 0.05
    b2 = jnp.zeros((D2,), dtype=jnp.float32)
    return {"inputs": inputs, "table": table, "W1": W1, "b1": b1, "W2": W2, "b2": b2, "is_training": False}

def reference(inputs, table, W1, b1, W2, b2, is_training=False):
    # Embedding lookup (mask_zero only produces a Keras mask; output math is a plain gather)
    x = jnp.take(table, inputs, axis=0)            # [B, T, EMB]
    x = jax.nn.relu(jnp.dot(x, W1) + b1)           # dense_1
    # dropout_1: identity when is_training=False
    x = jax.nn.relu(jnp.dot(x, W2) + b2)           # dense_2
    # dropout_2: identity when is_training=False
    return x

if __name__ == "__main__":
    import jax
    _d = setup_inputs()
    print(jax.jit(kernel)(*tuple(_d.values())))

</pallas_src>

<mosaic_0001>
#map = affine_map<(d0, d1) -> (0, 0)>
#map1 = affine_map<(d0, d1) -> (0, 0, 0)>
module attributes {stable_mosaic.version = 14 : i64} {
  func.func @gather_k(%arg0: i32, %arg1: i32, %arg2: memref<100000x128xf32, #tpu.memory_space<hbm>>, %arg3: memref<32x50x128xi32, #tpu.memory_space<hbm>>, %arg4: memref<204800x128xf32, #tpu.memory_space<hbm>>, %arg5: memref<50x128xi32, #tpu.memory_space<vmem>>, %arg6: memref<5x128x128xf32, #tpu.memory_space<vmem>>, %arg7: memref<!tpu.dma_semaphore, #tpu.memory_space<semaphore_mem>>, %arg8: memref<!tpu.dma_semaphore, #tpu.memory_space<semaphore_mem>>, %arg9: memref<!tpu.dma_semaphore, #tpu.memory_space<semaphore_mem>>, %arg10: memref<!tpu.dma_semaphore, #tpu.memory_space<semaphore_mem>>, %arg11: memref<!tpu.dma_semaphore, #tpu.memory_space<semaphore_mem>>, %arg12: memref<!tpu.dma_semaphore, #tpu.memory_space<semaphore_mem>>, %arg13: memref<!tpu.dma_semaphore, #tpu.memory_space<semaphore_mem>>, %arg14: memref<!tpu.dma_semaphore, #tpu.memory_space<semaphore_mem>>, %arg15: memref<!tpu.dma_semaphore, #tpu.memory_space<semaphore_mem>>, %arg16: memref<!tpu.dma_semaphore, #tpu.memory_space<semaphore_mem>>) attributes {dimension_semantics = [#tpu.dimension_semantics<core_parallel>, #tpu.dimension_semantics<subcore_parallel>], iteration_bounds = array<i64: 2, 16>, scalar_prefetch = 0 : i64, scratch_operands = 12 : i64, tpu.core_type = #tpu.core_type<sc_vector_subcore>, window_params = [{transform_indices = #map}, {transform_indices = #map1}, {transform_indices = #map}]} {
    %mul3A = arith.constant 2 : i32
    %mul3A_0 = arith.muli %arg1, %mul3A : i32
    %add3A = arith.addi %mul3A_0, %arg0 : i32
    "tpu.region"() ({
      %run_scoped3A = tpu.sem_alloc : memref<!tpu.dma_semaphore, #tpu.memory_space<semaphore_mem>>
      %dma_start3A_106 = arith.constant 0 : i32
      %dma_start3A_107 = arith.constant 0 : i32
      %dma_start3A_108 = tpu.memref_slice %arg3[%add3A, %dma_start3A_106, %dma_start3A_107] : memref<32x50x128xi32, #tpu.memory_space<hbm>> -> memref<1x50x128xi32, #tpu.memory_space<hbm>>
      %dma_start3A_109 = tpu.memref_squeeze %dma_start3A_108 : memref<1x50x128xi32, #tpu.memory_space<hbm>> -> memref<50x128xi32, #tpu.memory_space<hbm>>
      %dma_start3A_110 = arith.constant 0 : i32
      %dma_start3A_111 = arith.constant 0 : i32
      %dma_start3A_112 = tpu.memref_slice %arg3[%add3A, %dma_start3A_110, %dma_start3A_111] : memref<32x50x128xi32, #tpu.memory_space<hbm>> -> memref<1x50x128xi32, #tpu.memory_space<hbm>>
      %dma_start3A_113 = tpu.memref_squeeze %dma_start3A_112 : memref<1x50x128xi32, #tpu.memory_space<hbm>> -> memref<50x128xi32, #tpu.memory_space<hbm>>
      tpu.enqueue_dma source(%dma_start3A_113 : memref<50x128xi32, #tpu.memory_space<hbm>>) target(%arg5 : memref<50x128xi32, #tpu.memory_space<vmem>>) target_semaphore(%run_scoped3A : memref<!tpu.dma_semaphore, #tpu.memory_space<semaphore_mem>>)
      %dma_wait3A_114 = arith.constant 0 : i32
      %dma_wait3A_115 = arith.constant 0 : i32
      %dma_wait3A_116 = tpu.memref_slice %arg3[%add3A, %dma_wait3A_114, %dma_wait3A_115] : memref<32x50x128xi32, #tpu.memory_space<hbm>> -> memref<1x50x128xi32, #tpu.memory_space<hbm>>
      %dma_wait3A_117 = tpu.memref_squeeze %dma_wait3A_116 : memref<1x50x128xi32, #tpu.memory_space<hbm>> -> memref<50x128xi32, #tpu.memory_space<hbm>>
      %dma_wait3A_118 = arith.constant 0 : i32
      %dma_wait3A_119 = arith.constant 0 : i32
      %dma_wait3A_120 = tpu.memref_slice %arg3[%add3A, %dma_wait3A_118, %dma_wait3A_119] : memref<32x50x128xi32, #tpu.memory_space<hbm>> -> memref<1x50x128xi32, #tpu.memory_space<hbm>>
      %dma_wait3A_121 = tpu.memref_squeeze %dma_wait3A_120 : memref<1x50x128xi32, #tpu.memory_space<hbm>> -> memref<50x128xi32, #tpu.memory_space<hbm>>
      tpu.wait_dma2 semaphore(%run_scoped3A : memref<!tpu.dma_semaphore, #tpu.memory_space<semaphore_mem>>) src(%dma_wait3A_121 : memref<50x128xi32, #tpu.memory_space<hbm>>) dst(%arg5 : memref<50x128xi32, #tpu.memory_space<vmem>>)
      tpu.yield
    }) : () -> ()
    %mul3A_1 = arith.constant 6400 : i32
    %mul3A_2 = arith.muli %add3A, %mul3A_1 : i32
    %dma_start3A = arith.constant 0 : i32
    %dma_start3A_3 = arith.constant 0 : i32
    %dma_start3A_4 = arith.constant 0 : i32
    %dma_start3A_5 = arith.constant 0 : i32
    %dma_start3A_6 = tpu.memref_slice %arg6[%dma_start3A_3, %dma_start3A_4, %dma_start3A_5] : memref<5x128x128xf32, #tpu.memory_space<vmem>> -> memref<1x128x128xf32, #tpu.memory_space<vmem>>
    %dma_start3A_7 = tpu.memref_squeeze %dma_start3A_6 : memref<1x128x128xf32, #tpu.memory_space<vmem>> -> memref<128x128xf32, #tpu.memory_space<vmem>>
    %dma_start3A_8 = arith.constant 0 : i32
    %dma_start3A_9 = tpu.memref_slice %arg5[%dma_start3A, %dma_start3A_8] : memref<50x128xi32, #tpu.memory_space<vmem>> -> memref<1x128xi32, #tpu.memory_space<vmem>>
    %dma_start3A_10 = tpu.memref_squeeze %dma_start3A_9 : memref<1x128xi32, #tpu.memory_space<vmem>> -> memref<128xi32, #tpu.memory_space<vmem>>
    %dma_start3A_11 = arith.constant 0 : i32
    %dma_start3A_12 = arith.constant 0 : i32
    %dma_start3A_13 = tpu.memref_slice %arg2[%dma_start3A_11, %dma_start3A_12] : memref<100000x128xf32, #tpu.memory_space<hbm>> -> memref<100000x128xf32, #tpu.memory_space<hbm>>
    tpu.enqueue_indirect_dma source(%dma_start3A_13 : memref<100000x128xf32, #tpu.memory_space<hbm>>) target(%dma_start3A_7 : memref<128x128xf32, #tpu.memory_space<vmem>>) offsets(%dma_start3A_10 : memref<128xi32, #tpu.memory_space<vmem>>) semaphore(%arg7 : memref<!tpu.dma_semaphore, #tpu.memory_space<semaphore_mem>>)
    %dma_start3A_14 = arith.constant 1 : i32
    %dma_start3A_15 = arith.constant 1 : i32
    %dma_start3A_16 = arith.constant 0 : i32
    %dma_start3A_17 = arith.constant 0 : i32
    %dma_start3A_18 = tpu.memref_slice %arg6[%dma_start3A_15, %dma_start3A_16, %dma_start3A_17] : memref<5x128x128xf32, #tpu.memory_space<vmem>> -> memref<1x128x128xf32, #tpu.memory_space<vmem>>
    %dma_start3A_19 = tpu.memref_squeeze %dma_start3A_18 : memref<1x128x128xf32, #tpu.memory_space<vmem>> -> memref<128x128xf32, #tpu.memory_space<vmem>>
    %dma_start3A_20 = arith.constant 0 : i32
    %dma_start3A_21 = tpu.memref_slice %arg5[%dma_start3A_14, %dma_start3A_20] : memref<50x128xi32, #tpu.memory_space<vmem>> -> memref<1x128xi32, #tpu.memory_space<vmem>>
    %dma_start3A_22 = tpu.memref_squeeze %dma_start3A_21 : memref<1x128xi32, #tpu.memory_space<vmem>> -> memref<128xi32, #tpu.memory_space<vmem>>
    %dma_start3A_23 = arith.constant 0 : i32
    %dma_start3A_24 = arith.constant 0 : i32
    %dma_start3A_25 = tpu.memref_slice %arg2[%dma_start3A_23, %dma_start3A_24] : memref<100000x128xf32, #tpu.memory_space<hbm>> -> memref<100000x128xf32, #tpu.memory_space<hbm>>
    tpu.enqueue_indirect_dma source(%dma_start3A_25 : memref<100000x128xf32, #tpu.memory_space<hbm>>) target(%dma_start3A_19 : memref<128x128xf32, #tpu.memory_space<vmem>>) offsets(%dma_start3A_22 : memref<128xi32, #tpu.memory_space<vmem>>) semaphore(%arg8 : memref<!tpu.dma_semaphore, #tpu.memory_space<semaphore_mem>>)
    %dma_start3A_26 = arith.constant 2 : i32
    %dma_start3A_27 = arith.constant 2 : i32
    %dma_start3A_28 = arith.constant 0 : i32
    %dma_start3A_29 = arith.constant 0 : i32
    %dma_start3A_30 = tpu.memref_slice %arg6[%dma_start3A_27, %dma_start3A_28, %dma_start3A_29] : memref<5x128x128xf32, #tpu.memory_space<vmem>> -> memref<1x128x128xf32, #tpu.memory_space<vmem>>
    %dma_start3A_31 = tpu.memref_squeeze %dma_start3A_30 : memref<1x128x128xf32, #tpu.memory_space<vmem>> -> memref<128x128xf32, #tpu.memory_space<vmem>>
    %dma_start3A_32 = arith.constant 0 : i32
    %dma_start3A_33 = tpu.memref_slice %arg5[%dma_start3A_26, %dma_start3A_32] : memref<50x128xi32, #tpu.memory_space<vmem>> -> memref<1x128xi32, #tpu.memory_space<vmem>>
    %dma_start3A_34 = tpu.memref_squeeze %dma_start3A_33 : memref<1x128xi32, #tpu.memory_space<vmem>> -> memref<128xi32, #tpu.memory_space<vmem>>
    %dma_start3A_35 = arith.constant 0 : i32
    %dma_start3A_36 = arith.constant 0 : i32
    %dma_start3A_37 = tpu.memref_slice %arg2[%dma_start3A_35, %dma_start3A_36] : memref<100000x128xf32, #tpu.memory_space<hbm>> -> memref<100000x128xf32, #tpu.memory_space<hbm>>
    tpu.enqueue_indirect_dma source(%dma_start3A_37 : memref<100000x128xf32, #tpu.memory_space<hbm>>) target(%dma_start3A_31 : memref<128x128xf32, #tpu.memory_space<vmem>>) offsets(%dma_start3A_34 : memref<128xi32, #tpu.memory_space<vmem>>) semaphore(%arg9 : memref<!tpu.dma_semaphore, #tpu.memory_space<semaphore_mem>>)
    %scan3A = arith.constant 0 : i32
    %scan3A_38 = arith.constant 10 : i32
    %scan3A_39 = arith.addi %scan3A, %scan3A_38 : i32
    %scan3A_40 = arith.constant 1 : i32
    scf.for %scan3A_106 = %scan3A to %scan3A_39 step %scan3A_40  : i32 {
      %mul3A_107 = arith.constant 5 : i32
      %mul3A_108 = arith.muli %scan3A_106, %mul3A_107 : i32
      %add3A_109 = arith.constant 0 : i32
      %add3A_110 = arith.addi %add3A_109, %mul3A_108 : i32
      %add3A_111 = arith.constant 0 : i32
      %add3A_112 = arith.addi %add3A_110, %add3A_111 : i32
      %dma_wait3A_113 = arith.constant 0 : i32
      %dma_wait3A_114 = arith.constant 0 : i32
      %dma_wait3A_115 = arith.constant 0 : i32
      %dma_wait3A_116 = arith.constant 0 : i32
      %dma_wait3A_117 = tpu.memref_slice %arg6[%dma_wait3A_114, %dma_wait3A_115, %dma_wait3A_116] : memref<5x128x128xf32, #tpu.memory_space<vmem>> -> memref<1x128x128xf32, #tpu.memory_space<vmem>>
      %dma_wait3A_118 = tpu.memref_squeeze %dma_wait3A_117 : memref<1x128x128xf32, #tpu.memory_space<vmem>> -> memref<128x128xf32, #tpu.memory_space<vmem>>
      %dma_wait3A_119 = arith.constant 0 : i32
      %dma_wait3A_120 = tpu.memref_slice %arg5[%dma_wait3A_113, %dma_wait3A_119] : memref<50x128xi32, #tpu.memory_space<vmem>> -> memref<1x128xi32, #tpu.memory_space<vmem>>
      %dma_wait3A_121 = tpu.memref_squeeze %dma_wait3A_120 : memref<1x128xi32, #tpu.memory_space<vmem>> -> memref<128xi32, #tpu.memory_space<vmem>>
      %dma_wait3A_122 = arith.constant 0 : i32
      %dma_wait3A_123 = arith.constant 0 : i32
      %dma_wait3A_124 = tpu.memref_slice %arg2[%dma_wait3A_122, %dma_wait3A_123] : memref<100000x128xf32, #tpu.memory_space<hbm>> -> memref<100000x128xf32, #tpu.memory_space<hbm>>
      tpu.wait_indirect_dma semaphore(%arg7 : memref<!tpu.dma_semaphore, #tpu.memory_space<semaphore_mem>>) src(%dma_wait3A_124 : memref<100000x128xf32, #tpu.memory_space<hbm>>) dst(%dma_wait3A_118 : memref<128x128xf32, #tpu.memory_space<vmem>>)
      %mul3A_125 = arith.constant 128 : i32
      %mul3A_126 = arith.muli %add3A_112, %mul3A_125 : i32
      %add3A_127 = arith.addi %mul3A_2, %mul3A_126 : i32
      %dma_start3A_128 = arith.constant 0 : i32
      %dma_start3A_129 = arith.constant 0 : i32
      %dma_start3A_130 = arith.constant 0 : i32
      %dma_start3A_131 = tpu.memref_slice %arg6[%dma_start3A_128, %dma_start3A_129, %dma_start3A_130] : memref<5x128x128xf32, #tpu.memory_space<vmem>> -> memref<1x128x128xf32, #tpu.memory_space<vmem>>
      %dma_start3A_132 = tpu.memref_squeeze %dma_start3A_131 : memref<1x128x128xf32, #tpu.memory_space<vmem>> -> memref<128x128xf32, #tpu.memory_space<vmem>>
      %dma_start3A_133 = arith.constant 0 : i32
      %dma_start3A_134 = tpu.memref_slice %arg4[%add3A_127, %dma_start3A_133] : memref<204800x128xf32, #tpu.memory_space<hbm>> -> memref<128x128xf32, #tpu.memory_space<hbm>>
      %dma_start3A_135 = arith.constant 0 : i32
      %dma_start3A_136 = tpu.memref_slice %arg4[%add3A_127, %dma_start3A_135] : memref<204800x128xf32, #tpu.memory_space<hbm>> -> memref<128x128xf32, #tpu.memory_space<hbm>>
      %dma_start3A_137 = arith.constant 0 : i32
      %dma_start3A_138 = arith.constant 0 : i32
      %dma_start3A_139 = tpu.memref_slice %arg6[%dma_start3A_128, %dma_start3A_137, %dma_start3A_138] : memref<5x128x128xf32, #tpu.memory_space<vmem>> -> memref<1x128x128xf32, #tpu.memory_space<vmem>>
      %dma_start3A_140 = tpu.memref_squeeze %dma_start3A_139 : memref<1x128x128xf32, #tpu.memory_space<vmem>> -> memref<128x128xf32, #tpu.memory_space<vmem>>
      tpu.enqueue_dma source(%dma_start3A_140 : memref<128x128xf32, #tpu.memory_space<vmem>>) target(%dma_start3A_136 : memref<128x128xf32, #tpu.memory_space<hbm>>) target_semaphore(%arg12 : memref<!tpu.dma_semaphore, #tpu.memory_space<semaphore_mem>>)
      %add3A_141 = arith.constant 3 : i32
      %add3A_142 = arith.addi %add3A_112, %add3A_141 : i32
      %lt3A = arith.constant 50 : i32
      %lt3A_143 = arith.cmpi slt, %add3A_142, %lt3A : i32
      %convert_element_type3A = arith.extui %lt3A_143 : i1 to i32
      %cond3A = arith.constant 0 : i32
      %cond3A_144 = arith.cmpi ne, %convert_element_type3A, %cond3A : i32
      scf.if %cond3A_144 {
        %ge3A = arith.constant 5 : i32
        %ge3A_293 = arith.cmpi sge, %add3A_142, %ge3A : i32
        %convert_element_type3A_294 = arith.extui %ge3A_293 : i1 to i32
        %cond3A_295 = arith.constant 0 : i32
        %cond3A_296 = arith.cmpi ne, %convert_element_type3A_294, %cond3A_295 : i32
        scf.if %cond3A_296 {
          %dma_wait3A_308 = arith.constant 3 : i32
          %dma_wait3A_309 = arith.constant 0 : i32
          %dma_wait3A_310 = arith.constant 0 : i32
          %dma_wait3A_311 = tpu.memref_slice %arg6[%dma_wait3A_308, %dma_wait3A_309, %dma_wait3A_310] : memref<5x128x128xf32, #tpu.memory_space<vmem>> -> memref<1x128x128xf32, #tpu.memory_space<vmem>>
          %dma_wait3A_312 = tpu.memref_squeeze %dma_wait3A_311 : memref<1x128x128xf32, #tpu.memory_space<vmem>> -> memref<128x128xf32, #tpu.memory_space<vmem>>
          %dma_wait3A_313 = arith.constant 0 : i32
          %dma_wait3A_314 = tpu.memref_slice %arg4[%mul3A_2, %dma_wait3A_313] : memref<204800x128xf32, #tpu.memory_space<hbm>> -> memref<128x128xf32, #tpu.memory_space<hbm>>
          %dma_wait3A_315 = arith.constant 0 : i32
          %dma_wait3A_316 = tpu.memref_slice %arg4[%mul3A_2, %dma_wait3A_315] : memref<204800x128xf32, #tpu.memory_space<hbm>> -> memref<128x128xf32, #tpu.memory_space<hbm>>
          %dma_wait3A_317 = arith.constant 0 : i32
          %dma_wait3A_318 = arith.constant 0 : i32
          %dma_wait3A_319 = tpu.memref_slice %arg6[%dma_wait3A_308, %dma_wait3A_317, %dma_wait3A_318] : memref<5x128x128xf32, #tpu.memory_space<vmem>> -> memref<1x128x128xf32, #tpu.memory_space<vmem>>
          %dma_wait3A_320 = tpu.memref_squeeze %dma_wait3A_319 : memref<1x128x128xf32, #tpu.memory_space<vmem>> -> memref<128x128xf32, #tpu.memory_space<vmem>>
          tpu.wait_dma2 semaphore(%arg15 : memref<!tpu.dma_semaphore, #tpu.memory_space<semaphore_mem>>) src(%dma_wait3A_320 : memref<128x128xf32, #tpu.memory_space<vmem>>) dst(%dma_wait3A_316 : memref<128x128xf32, #tpu.memory_space<hbm>>)
        } else {
        }
        %dma_start3A_297 = arith.constant 3 : i32
        %dma_start3A_298 = arith.constant 0 : i32
        %dma_start3A_299 = arith.constant 0 : i32
        %dma_start3A_300 = tpu.memref_slice %arg6[%dma_start3A_297, %dma_start3A_298, %dma_start3A_299] : memref<5x128x128xf32, #tpu.memory_space<vmem>> -> memref<1x128x128xf32, #tpu.memory_space<vmem>>
        %dma_start3A_301 = tpu.memref_squeeze %dma_start3A_300 : memref<1x128x128xf32, #tpu.memory_space<vmem>> -> memref<128x128xf32, #tpu.memory_space<vmem>>
        %dma_start3A_302 = arith.constant 0 : i32
        %dma_start3A_303 = tpu.memref_slice %arg5[%add3A_142, %dma_start3A_302] : memref<50x128xi32, #tpu.memory_space<vmem>> -> memref<1x128xi32, #tpu.memory_space<vmem>>
        %dma_start3A_304 = tpu.memref_squeeze %dma_start3A_303 : memref<1x128xi32, #tpu.memory_space<vmem>> -> memref<128xi32, #tpu.memory_space<vmem>>
        %dma_start3A_305 = arith.constant 0 : i32
        %dma_start3A_306 = arith.constant 0 : i32
        %dma_start3A_307 = tpu.memref_slice %arg2[%dma_start3A_305, %dma_start3A_306] : memref<100000x128xf32, #tpu.memory_space<hbm>> -> memref<100000x128xf32, #tpu.memory_space<hbm>>
        tpu.enqueue_indirect_dma source(%dma_start3A_307 : memref<100000x128xf32, #tpu.memory_space<hbm>>) target(%dma_start3A_301 : memref<128x128xf32, #tpu.memory_space<vmem>>) offsets(%dma_start3A_304 : memref<128xi32, #tpu.memory_space<vmem>>) semaphore(%arg10 : memref<!tpu.dma_semaphore, #tpu.memory_space<semaphore_mem>>)
      } else {
      }
      %add3A_145 = arith.constant 1 : i32
      %add3A_146 = arith.addi %add3A_110, %add3A_145 : i32
      %dma_wait3A_147 = arith.constant 0 : i32
      %dma_wait3A_148 = arith.constant 1 : i32
      %dma_wait3A_149 = arith.constant 0 : i32
      %dma_wait3A_150 = arith.constant 0 : i32
      %dma_wait3A_151 = tpu.memref_slice %arg6[%dma_wait3A_148, %dma_wait3A_149, %dma_wait3A_150] : memref<5x128x128xf32, #tpu.memory_space<vmem>> -> memref<1x128x128xf32, #tpu.memory_space<vmem>>
      %dma_wait3A_152 = tpu.memref_squeeze %dma_wait3A_151 : memref<1x128x128xf32, #tpu.memory_space<vmem>> -> memref<128x128xf32, #tpu.memory_space<vmem>>
      %dma_wait3A_153 = arith.constant 0 : i32
      %dma_wait3A_154 = tpu.memref_slice %arg5[%dma_wait3A_147, %dma_wait3A_153] : memref<50x128xi32, #tpu.memory_space<vmem>> -> memref<1x128xi32, #tpu.memory_space<vmem>>
      %dma_wait3A_155 = tpu.memref_squeeze %dma_wait3A_154 : memref<1x128xi32, #tpu.memory_space<vmem>> -> memref<128xi32, #tpu.memory_space<vmem>>
      %dma_wait3A_156 = arith.constant 0 : i32
      %dma_wait3A_157 = arith.constant 0 : i32
      %dma_wait3A_158 = tpu.memref_slice %arg2[%dma_wait3A_156, %dma_wait3A_157] : memref<100000x128xf32, #tpu.memory_space<hbm>> -> memref<100000x128xf32, #tpu.memory_space<hbm>>
      tpu.wait_indirect_dma semaphore(%arg8 : memref<!tpu.dma_semaphore, #tpu.memory_space<semaphore_mem>>) src(%dma_wait3A_158 : memref<100000x128xf32, #tpu.memory_space<hbm>>) dst(%dma_wait3A_152 : memref<128x128xf32, #tpu.memory_space<vmem>>)
      %mul3A_159 = arith.constant 128 : i32
      %mul3A_160 = arith.muli %add3A_146, %mul3A_159 : i32
      %add3A_161 = arith.addi %mul3A_2, %mul3A_160 : i32
      %dma_start3A_162 = arith.constant 1 : i32
      %dma_start3A_163 = arith.constant 0 : i32
      %dma_start3A_164 = arith.constant 0 : i32
      %dma_start3A_165 = tpu.memref_slice %arg6[%dma_start3A_162, %dma_start3A_163, %dma_start3A_164] : memref<5x128x128xf32, #tpu.memory_space<vmem>> -> memref<1x128x128xf32, #tpu.memory_space<vmem>>
      %dma_start3A_166 = tpu.memref_squeeze %dma_start3A_165 : memref<1x128x128xf32, #tpu.memory_space<vmem>> -> memref<128x128xf32, #tpu.memory_space<vmem>>
      %dma_start3A_167 = arith.constant 0 : i32
      %dma_start3A_168 = tpu.memref_slice %arg4[%add3A_161, %dma_start3A_167] : memref<204800x128xf32, #tpu.memory_space<hbm>> -> memref<128x128xf32, #tpu.memory_space<hbm>>
      %dma_start3A_169 = arith.constant 0 : i32
      %dma_start3A_170 = tpu.memref_slice %arg4[%add3A_161, %dma_start3A_169] : memref<204800x128xf32, #tpu.memory_space<hbm>> -> memref<128x128xf32, #tpu.memory_space<hbm>>
      %dma_start3A_171 = arith.constant 0 : i32
      %dma_start3A_172 = arith.constant 0 : i32
      %dma_start3A_173 = tpu.memref_slice %arg6[%dma_start3A_162, %dma_start3A_171, %dma_start3A_172] : memref<5x128x128xf32, #tpu.memory_space<vmem>> -> memref<1x128x128xf32, #tpu.memory_space<vmem>>
      %dma_start3A_174 = tpu.memref_squeeze %dma_start3A_173 : memref<1x128x128xf32, #tpu.memory_space<vmem>> -> memref<128x128xf32, #tpu.memory_space<vmem>>
      tpu.enqueue_dma source(%dma_start3A_174 : memref<128x128xf32, #tpu.memory_space<vmem>>) target(%dma_start3A_170 : memref<128x128xf32, #tpu.memory_space<hbm>>) target_semaphore(%arg13 : memref<!tpu.dma_semaphore, #tpu.memory_space<semaphore_mem>>)
      %add3A_175 = arith.constant 3 : i32
      %add3A_176 = arith.addi %add3A_146, %add3A_175 : i32
      %lt3A_177 = arith.constant 50 : i32
      %lt3A_178 = arith.cmpi slt, %add3A_176, %lt3A_177 : i32
      %convert_element_type3A_179 = arith.extui %lt3A_178 : i1 to i32
      %cond3A_180 = arith.constant 0 : i32
      %cond3A_181 = arith.cmpi ne, %convert_element_type3A_179, %cond3A_180 : i32
      scf.if %cond3A_181 {
        %ge3A = arith.constant 5 : i32
        %ge3A_293 = arith.cmpi sge, %add3A_176, %ge3A : i32
        %convert_element_type3A_294 = arith.extui %ge3A_293 : i1 to i32
        %cond3A_295 = arith.constant 0 : i32
        %cond3A_296 = arith.cmpi ne, %convert_element_type3A_294, %cond3A_295 : i32
        scf.if %cond3A_296 {
          %dma_wait3A_308 = arith.constant 4 : i32
          %dma_wait3A_309 = arith.constant 0 : i32
          %dma_wait3A_310 = arith.constant 0 : i32
          %dma_wait3A_311 = tpu.memref_slice %arg6[%dma_wait3A_308, %dma_wait3A_309, %dma_wait3A_310] : memref<5x128x128xf32, #tpu.memory_space<vmem>> -> memref<1x128x128xf32, #tpu.memory_space<vmem>>
          %dma_wait3A_312 = tpu.memref_squeeze %dma_wait3A_311 : memref<1x128x128xf32, #tpu.memory_space<vmem>> -> memref<128x128xf32, #tpu.memory_space<vmem>>
          %dma_wait3A_313 = arith.constant 0 : i32
          %dma_wait3A_314 = tpu.memref_slice %arg4[%mul3A_2, %dma_wait3A_313] : memref<204800x128xf32, #tpu.memory_space<hbm>> -> memref<128x128xf32, #tpu.memory_space<hbm>>
          %dma_wait3A_315 = arith.constant 0 : i32
          %dma_wait3A_316 = tpu.memref_slice %arg4[%mul3A_2, %dma_wait3A_315] : memref<204800x128xf32, #tpu.memory_space<hbm>> -> memref<128x128xf32, #tpu.memory_space<hbm>>
          %dma_wait3A_317 = arith.constant 0 : i32
          %dma_wait3A_318 = arith.constant 0 : i32
          %dma_wait3A_319 = tpu.memref_slice %arg6[%dma_wait3A_308, %dma_wait3A_317, %dma_wait3A_318] : memref<5x128x128xf32, #tpu.memory_space<vmem>> -> memref<1x128x128xf32, #tpu.memory_space<vmem>>
          %dma_wait3A_320 = tpu.memref_squeeze %dma_wait3A_319 : memref<1x128x128xf32, #tpu.memory_space<vmem>> -> memref<128x128xf32, #tpu.memory_space<vmem>>
          tpu.wait_dma2 semaphore(%arg16 : memref<!tpu.dma_semaphore, #tpu.memory_space<semaphore_mem>>) src(%dma_wait3A_320 : memref<128x128xf32, #tpu.memory_space<vmem>>) dst(%dma_wait3A_316 : memref<128x128xf32, #tpu.memory_space<hbm>>)
        } else {
        }
        %dma_start3A_297 = arith.constant 4 : i32
        %dma_start3A_298 = arith.constant 0 : i32
        %dma_start3A_299 = arith.constant 0 : i32
        %dma_start3A_300 = tpu.memref_slice %arg6[%dma_start3A_297, %dma_start3A_298, %dma_start3A_299] : memref<5x128x128xf32, #tpu.memory_space<vmem>> -> memref<1x128x128xf32, #tpu.memory_space<vmem>>
        %dma_start3A_301 = tpu.memref_squeeze %dma_start3A_300 : memref<1x128x128xf32, #tpu.memory_space<vmem>> -> memref<128x128xf32, #tpu.memory_space<vmem>>
        %dma_start3A_302 = arith.constant 0 : i32
        %dma_start3A_303 = tpu.memref_slice %arg5[%add3A_176, %dma_start3A_302] : memref<50x128xi32, #tpu.memory_space<vmem>> -> memref<1x128xi32, #tpu.memory_space<vmem>>
        %dma_start3A_304 = tpu.memref_squeeze %dma_start3A_303 : memref<1x128xi32, #tpu.memory_space<vmem>> -> memref<128xi32, #tpu.memory_space<vmem>>
        %dma_start3A_305 = arith.constant 0 : i32
        %dma_start3A_306 = arith.constant 0 : i32
        %dma_start3A_307 = tpu.memref_slice %arg2[%dma_start3A_305, %dma_start3A_306] : memref<100000x128xf32, #tpu.memory_space<hbm>> -> memref<100000x128xf32, #tpu.memory_space<hbm>>
        tpu.enqueue_indirect_dma source(%dma_start3A_307 : memref<100000x128xf32, #tpu.memory_space<hbm>>) target(%dma_start3A_301 : memref<128x128xf32, #tpu.memory_space<vmem>>) offsets(%dma_start3A_304 : memref<128xi32, #tpu.memory_space<vmem>>) semaphore(%arg11 : memref<!tpu.dma_semaphore, #tpu.memory_space<semaphore_mem>>)
      } else {
      }
      %add3A_182 = arith.constant 2 : i32
      %add3A_183 = arith.addi %add3A_110, %add3A_182 : i32
      %dma_wait3A_184 = arith.constant 0 : i32
      %dma_wait3A_185 = arith.constant 2 : i32
      %dma_wait3A_186 = arith.constant 0 : i32
      %dma_wait3A_187 = arith.constant 0 : i32
      %dma_wait3A_188 = tpu.memref_slice %arg6[%dma_wait3A_185, %dma_wait3A_186, %dma_wait3A_187] : memref<5x128x128xf32, #tpu.memory_space<vmem>> -> memref<1x128x128xf32, #tpu.memory_space<vmem>>
      %dma_wait3A_189 = tpu.memref_squeeze %dma_wait3A_188 : memref<1x128x128xf32, #tpu.memory_space<vmem>> -> memref<128x128xf32, #tpu.memory_space<vmem>>
      %dma_wait3A_190 = arith.constant 0 : i32
      %dma_wait3A_191 = tpu.memref_slice %arg5[%dma_wait3A_184, %dma_wait3A_190] : memref<50x128xi32, #tpu.memory_space<vmem>> -> memref<1x128xi32, #tpu.memory_space<vmem>>
      %dma_wait3A_192 = tpu.memref_squeeze %dma_wait3A_191 : memref<1x128xi32, #tpu.memory_space<vmem>> -> memref<128xi32, #tpu.memory_space<vmem>>
      %dma_wait3A_193 = arith.constant 0 : i32
      %dma_wait3A_194 = arith.constant 0 : i32
      %dma_wait3A_195 = tpu.memref_slice %arg2[%dma_wait3A_193, %dma_wait3A_194] : memref<100000x128xf32, #tpu.memory_space<hbm>> -> memref<100000x128xf32, #tpu.memory_space<hbm>>
      tpu.wait_indirect_dma semaphore(%arg9 : memref<!tpu.dma_semaphore, #tpu.memory_space<semaphore_mem>>) src(%dma_wait3A_195 : memref<100000x128xf32, #tpu.memory_space<hbm>>) dst(%dma_wait3A_189 : memref<128x128xf32, #tpu.memory_space<vmem>>)
      %mul3A_196 = arith.constant 128 : i32
      %mul3A_197 = arith.muli %add3A_183, %mul3A_196 : i32
      %add3A_198 = arith.addi %mul3A_2, %mul3A_197 : i32
      %dma_start3A_199 = arith.constant 2 : i32
      %dma_start3A_200 = arith.constant 0 : i32
      %dma_start3A_201 = arith.constant 0 : i32
      %dma_start3A_202 = tpu.memref_slice %arg6[%dma_start3A_199, %dma_start3A_200, %dma_start3A_201] : memref<5x128x128xf32, #tpu.memory_space<vmem>> -> memref<1x128x128xf32, #tpu.memory_space<vmem>>
      %dma_start3A_203 = tpu.memref_squeeze %dma_start3A_202 : memref<1x128x128xf32, #tpu.memory_space<vmem>> -> memref<128x128xf32, #tpu.memory_space<vmem>>
      %dma_start3A_204 = arith.constant 0 : i32
      %dma_start3A_205 = tpu.memref_slice %arg4[%add3A_198, %dma_start3A_204] : memref<204800x128xf32, #tpu.memory_space<hbm>> -> memref<128x128xf32, #tpu.memory_space<hbm>>
      %dma_start3A_206 = arith.constant 0 : i32
      %dma_start3A_207 = tpu.memref_slice %arg4[%add3A_198, %dma_start3A_206] : memref<204800x128xf32, #tpu.memory_space<hbm>> -> memref<128x128xf32, #tpu.memory_space<hbm>>
      %dma_start3A_208 = arith.constant 0 : i32
      %dma_start3A_209 = arith.constant 0 : i32
      %dma_start3A_210 = tpu.memref_slice %arg6[%dma_start3A_199, %dma_start3A_208, %dma_start3A_209] : memref<5x128x128xf32, #tpu.memory_space<vmem>> -> memref<1x128x128xf32, #tpu.memory_space<vmem>>
      %dma_start3A_211 = tpu.memref_squeeze %dma_start3A_210 : memref<1x128x128xf32, #tpu.memory_space<vmem>> -> memref<128x128xf32, #tpu.memory_space<vmem>>
      tpu.enqueue_dma source(%dma_start3A_211 : memref<128x128xf32, #tpu.memory_space<vmem>>) target(%dma_start3A_207 : memref<128x128xf32, #tpu.memory_space<hbm>>) target_semaphore(%arg14 : memref<!tpu.dma_semaphore, #tpu.memory_space<semaphore_mem>>)
      %add3A_212 = arith.constant 3 : i32
      %add3A_213 = arith.addi %add3A_183, %add3A_212 : i32
      %lt3A_214 = arith.constant 50 : i32
      %lt3A_215 = arith.cmpi slt, %add3A_213, %lt3A_214 : i32
      %convert_element_type3A_216 = arith.extui %lt3A_215 : i1 to i32
      %cond3A_217 = arith.constant 0 : i32
      %cond3A_218 = arith.cmpi ne, %convert_element_type3A_216, %cond3A_217 : i32
      scf.if %cond3A_218 {
        %ge3A = arith.constant 5 : i32
        %ge3A_293 = arith.cmpi sge, %add3A_213, %ge3A : i32
        %convert_element_type3A_294 = arith.extui %ge3A_293 : i1 to i32
        %cond3A_295 = arith.constant 0 : i32
        %cond3A_296 = arith.cmpi ne, %convert_element_type3A_294, %cond3A_295 : i32
        scf.if %cond3A_296 {
          %dma_wait3A_308 = arith.constant 0 : i32
          %dma_wait3A_309 = arith.constant 0 : i32
          %dma_wait3A_310 = arith.constant 0 : i32
          %dma_wait3A_311 = tpu.memref_slice %arg6[%dma_wait3A_308, %dma_wait3A_309, %dma_wait3A_310] : memref<5x128x128xf32, #tpu.memory_space<vmem>> -> memref<1x128x128xf32, #tpu.memory_space<vmem>>
          %dma_wait3A_312 = tpu.memref_squeeze %dma_wait3A_311 : memref<1x128x128xf32, #tpu.memory_space<vmem>> -> memref<128x128xf32, #tpu.memory_space<vmem>>
          %dma_wait3A_313 = arith.constant 0 : i32
          %dma_wait3A_314 = tpu.memref_slice %arg4[%mul3A_2, %dma_wait3A_313] : memref<204800x128xf32, #tpu.memory_space<hbm>> -> memref<128x128xf32, #tpu.memory_space<hbm>>
          %dma_wait3A_315 = arith.constant 0 : i32
          %dma_wait3A_316 = tpu.memref_slice %arg4[%mul3A_2, %dma_wait3A_315] : memref<204800x128xf32, #tpu.memory_space<hbm>> -> memref<128x128xf32, #tpu.memory_space<hbm>>
          %dma_wait3A_317 = arith.constant 0 : i32
          %dma_wait3A_318 = arith.constant 0 : i32
          %dma_wait3A_319 = tpu.memref_slice %arg6[%dma_wait3A_308, %dma_wait3A_317, %dma_wait3A_318] : memref<5x128x128xf32, #tpu.memory_space<vmem>> -> memref<1x128x128xf32, #tpu.memory_space<vmem>>
          %dma_wait3A_320 = tpu.memref_squeeze %dma_wait3A_319 : memref<1x128x128xf32, #tpu.memory_space<vmem>> -> memref<128x128xf32, #tpu.memory_space<vmem>>
          tpu.wait_dma2 semaphore(%arg12 : memref<!tpu.dma_semaphore, #tpu.memory_space<semaphore_mem>>) src(%dma_wait3A_320 : memref<128x128xf32, #tpu.memory_space<vmem>>) dst(%dma_wait3A_316 : memref<128x128xf32, #tpu.memory_space<hbm>>)
        } else {
        }
        %dma_start3A_297 = arith.constant 0 : i32
        %dma_start3A_298 = arith.constant 0 : i32
        %dma_start3A_299 = arith.constant 0 : i32
        %dma_start3A_300 = tpu.memref_slice %arg6[%dma_start3A_297, %dma_start3A_298, %dma_start3A_299] : memref<5x128x128xf32, #tpu.memory_space<vmem>> -> memref<1x128x128xf32, #tpu.memory_space<vmem>>
        %dma_start3A_301 = tpu.memref_squeeze %dma_start3A_300 : memref<1x128x128xf32, #tpu.memory_space<vmem>> -> memref<128x128xf32, #tpu.memory_space<vmem>>
        %dma_start3A_302 = arith.constant 0 : i32
        %dma_start3A_303 = tpu.memref_slice %arg5[%add3A_213, %dma_start3A_302] : memref<50x128xi32, #tpu.memory_space<vmem>> -> memref<1x128xi32, #tpu.memory_space<vmem>>
        %dma_start3A_304 = tpu.memref_squeeze %dma_start3A_303 : memref<1x128xi32, #tpu.memory_space<vmem>> -> memref<128xi32, #tpu.memory_space<vmem>>
        %dma_start3A_305 = arith.constant 0 : i32
        %dma_start3A_306 = arith.constant 0 : i32
        %dma_start3A_307 = tpu.memref_slice %arg2[%dma_start3A_305, %dma_start3A_306] : memref<100000x128xf32, #tpu.memory_space<hbm>> -> memref<100000x128xf32, #tpu.memory_space<hbm>>
        tpu.enqueue_indirect_dma source(%dma_start3A_307 : memref<100000x128xf32, #tpu.memory_space<hbm>>) target(%dma_start3A_301 : memref<128x128xf32, #tpu.memory_space<vmem>>) offsets(%dma_start3A_304 : memref<128xi32, #tpu.memory_space<vmem>>) semaphore(%arg7 : memref<!tpu.dma_semaphore, #tpu.memory_space<semaphore_mem>>)
      } else {
      }
      %add3A_219 = arith.constant 3 : i32
      %add3A_220 = arith.addi %add3A_110, %add3A_219 : i32
      %dma_wait3A_221 = arith.constant 0 : i32
      %dma_wait3A_222 = arith.constant 3 : i32
      %dma_wait3A_223 = arith.constant 0 : i32
      %dma_wait3A_224 = arith.constant 0 : i32
      %dma_wait3A_225 = tpu.memref_slice %arg6[%dma_wait3A_222, %dma_wait3A_223, %dma_wait3A_224] : memref<5x128x128xf32, #tpu.memory_space<vmem>> -> memref<1x128x128xf32, #tpu.memory_space<vmem>>
      %dma_wait3A_226 = tpu.memref_squeeze %dma_wait3A_225 : memref<1x128x128xf32, #tpu.memory_space<vmem>> -> memref<128x128xf32, #tpu.memory_space<vmem>>
      %dma_wait3A_227 = arith.constant 0 : i32
      %dma_wait3A_228 = tpu.memref_slice %arg5[%dma_wait3A_221, %dma_wait3A_227] : memref<50x128xi32, #tpu.memory_space<vmem>> -> memref<1x128xi32, #tpu.memory_space<vmem>>
      %dma_wait3A_229 = tpu.memref_squeeze %dma_wait3A_228 : memref<1x128xi32, #tpu.memory_space<vmem>> -> memref<128xi32, #tpu.memory_space<vmem>>
      %dma_wait3A_230 = arith.constant 0 : i32
      %dma_wait3A_231 = arith.constant 0 : i32
      %dma_wait3A_232 = tpu.memref_slice %arg2[%dma_wait3A_230, %dma_wait3A_231] : memref<100000x128xf32, #tpu.memory_space<hbm>> -> memref<100000x128xf32, #tpu.memory_space<hbm>>
      tpu.wait_indirect_dma semaphore(%arg10 : memref<!tpu.dma_semaphore, #tpu.memory_space<semaphore_mem>>) src(%dma_wait3A_232 : memref<100000x128xf32, #tpu.memory_space<hbm>>) dst(%dma_wait3A_226 : memref<128x128xf32, #tpu.memory_space<vmem>>)
      %mul3A_233 = arith.constant 128 : i32
      %mul3A_234 = arith.muli %add3A_220, %mul3A_233 : i32
      %add3A_235 = arith.addi %mul3A_2, %mul3A_234 : i32
      %dma_start3A_236 = arith.constant 3 : i32
      %dma_start3A_237 = arith.constant 0 : i32
      %dma_start3A_238 = arith.constant 0 : i32
      %dma_start3A_239 = tpu.memref_slice %arg6[%dma_start3A_236, %dma_start3A_237, %dma_start3A_238] : memref<5x128x128xf32, #tpu.memory_space<vmem>> -> memref<1x128x128xf32, #tpu.memory_space<vmem>>
      %dma_start3A_240 = tpu.memref_squeeze %dma_start3A_239 : memref<1x128x128xf32, #tpu.memory_space<vmem>> -> memref<128x128xf32, #tpu.memory_space<vmem>>
      %dma_start3A_241 = arith.constant 0 : i32
      %dma_start3A_242 = tpu.memref_slice %arg4[%add3A_235, %dma_start3A_241] : memref<204800x128xf32, #tpu.memory_space<hbm>> -> memref<128x128xf32, #tpu.memory_space<hbm>>
      %dma_start3A_243 = arith.constant 0 : i32
      %dma_start3A_244 = tpu.memref_slice %arg4[%add3A_235, %dma_start3A_243] : memref<204800x128xf32, #tpu.memory_space<hbm>> -> memref<128x128xf32, #tpu.memory_space<hbm>>
      %dma_start3A_245 = arith.constant 0 : i32
      %dma_start3A_246 = arith.constant 0 : i32
      %dma_start3A_247 = tpu.memref_slice %arg6[%dma_start3A_236, %dma_start3A_245, %dma_start3A_246] : memref<5x128x128xf32, #tpu.memory_space<vmem>> -> memref<1x128x128xf32, #tpu.memory_space<vmem>>
      %dma_start3A_248 = tpu.memref_squeeze %dma_start3A_247 : memref<1x128x128xf32, #tpu.memory_space<vmem>> -> memref<128x128xf32, #tpu.memory_space<vmem>>
      tpu.enqueue_dma source(%dma_start3A_248 : memref<128x128xf32, #tpu.memory_space<vmem>>) target(%dma_start3A_244 : memref<128x128xf32, #tpu.memory_space<hbm>>) target_semaphore(%arg15 : memref<!tpu.dma_semaphore, #tpu.memory_space<semaphore_mem>>)
      %add3A_249 = arith.constant 3 : i32
      %add3A_250 = arith.addi %add3A_220, %add3A_249 : i32
      %lt3A_251 = arith.constant 50 : i32
      %lt3A_252 = arith.cmpi slt, %add3A_250, %lt3A_251 : i32
      %convert_element_type3A_253 = arith.extui %lt3A_252 : i1 to i32
      %cond3A_254 = arith.constant 0 : i32
      %cond3A_255 = arith.cmpi ne, %convert_element_type3A_253, %cond3A_254 : i32
      scf.if %cond3A_255 {
        %ge3A = arith.constant 5 : i32
        %ge3A_293 = arith.cmpi sge, %add3A_250, %ge3A : i32
        %convert_element_type3A_294 = arith.extui %ge3A_293 : i1 to i32
        %cond3A_295 = arith.constant 0 : i32
        %cond3A_296 = arith.cmpi ne, %convert_element_type3A_294, %cond3A_295 : i32
        scf.if %cond3A_296 {
          %dma_wait3A_308 = arith.constant 1 : i32
          %dma_wait3A_309 = arith.constant 0 : i32
          %dma_wait3A_310 = arith.constant 0 : i32
          %dma_wait3A_311 = tpu.memref_slice %arg6[%dma_wait3A_308, %dma_wait3A_309, %dma_wait3A_310] : memref<5x128x128xf32, #tpu.memory_space<vmem>> -> memref<1x128x128xf32, #tpu.memory_space<vmem>>
          %dma_wait3A_312 = tpu.memref_squeeze %dma_wait3A_311 : memref<1x128x128xf32, #tpu.memory_space<vmem>> -> memref<128x128xf32, #tpu.memory_space<vmem>>
          %dma_wait3A_313 = arith.constant 0 : i32
          %dma_wait3A_314 = tpu.memref_slice %arg4[%mul3A_2, %dma_wait3A_313] : memref<204800x128xf32, #tpu.memory_space<hbm>> -> memref<128x128xf32, #tpu.memory_space<hbm>>
          %dma_wait3A_315 = arith.constant 0 : i32
          %dma_wait3A_316 = tpu.memref_slice %arg4[%mul3A_2, %dma_wait3A_315] : memref<204800x128xf32, #tpu.memory_space<hbm>> -> memref<128x128xf32, #tpu.memory_space<hbm>>
          %dma_wait3A_317 = arith.constant 0 : i32
          %dma_wait3A_318 = arith.constant 0 : i32
          %dma_wait3A_319 = tpu.memref_slice %arg6[%dma_wait3A_308, %dma_wait3A_317, %dma_wait3A_318] : memref<5x128x128xf32, #tpu.memory_space<vmem>> -> memref<1x128x128xf32, #tpu.memory_space<vmem>>
          %dma_wait3A_320 = tpu.memref_squeeze %dma_wait3A_319 : memref<1x128x128xf32, #tpu.memory_space<vmem>> -> memref<128x128xf32, #tpu.memory_space<vmem>>
          tpu.wait_dma2 semaphore(%arg13 : memref<!tpu.dma_semaphore, #tpu.memory_space<semaphore_mem>>) src(%dma_wait3A_320 : memref<128x128xf32, #tpu.memory_space<vmem>>) dst(%dma_wait3A_316 : memref<128x128xf32, #tpu.memory_space<hbm>>)
        } else {
        }
        %dma_start3A_297 = arith.constant 1 : i32
        %dma_start3A_298 = arith.constant 0 : i32
        %dma_start3A_299 = arith.constant 0 : i32
        %dma_start3A_300 = tpu.memref_slice %arg6[%dma_start3A_297, %dma_start3A_298, %dma_start3A_299] : memref<5x128x128xf32, #tpu.memory_space<vmem>> -> memref<1x128x128xf32, #tpu.memory_space<vmem>>
        %dma_start3A_301 = tpu.memref_squeeze %dma_start3A_300 : memref<1x128x128xf32, #tpu.memory_space<vmem>> -> memref<128x128xf32, #tpu.memory_space<vmem>>
        %dma_start3A_302 = arith.constant 0 : i32
        %dma_start3A_303 = tpu.memref_slice %arg5[%add3A_250, %dma_start3A_302] : memref<50x128xi32, #tpu.memory_space<vmem>> -> memref<1x128xi32, #tpu.memory_space<vmem>>
        %dma_start3A_304 = tpu.memref_squeeze %dma_start3A_303 : memref<1x128xi32, #tpu.memory_space<vmem>> -> memref<128xi32, #tpu.memory_space<vmem>>
        %dma_start3A_305 = arith.constant 0 : i32
        %dma_start3A_306 = arith.constant 0 : i32
        %dma_start3A_307 = tpu.memref_slice %arg2[%dma_start3A_305, %dma_start3A_306] : memref<100000x128xf32, #tpu.memory_space<hbm>> -> memref<100000x128xf32, #tpu.memory_space<hbm>>
        tpu.enqueue_indirect_dma source(%dma_start3A_307 : memref<100000x128xf32, #tpu.memory_space<hbm>>) target(%dma_start3A_301 : memref<128x128xf32, #tpu.memory_space<vmem>>) offsets(%dma_start3A_304 : memref<128xi32, #tpu.memory_space<vmem>>) semaphore(%arg8 : memref<!tpu.dma_semaphore, #tpu.memory_space<semaphore_mem>>)
      } else {
      }
      %add3A_256 = arith.constant 4 : i32
      %add3A_257 = arith.addi %add3A_110, %add3A_256 : i32
      %dma_wait3A_258 = arith.constant 0 : i32
      %dma_wait3A_259 = arith.constant 4 : i32
      %dma_wait3A_260 = arith.constant 0 : i32
      %dma_wait3A_261 = arith.constant 0 : i32
      %dma_wait3A_262 = tpu.memref_slice %arg6[%dma_wait3A_259, %dma_wait3A_260, %dma_wait3A_261] : memref<5x128x128xf32, #tpu.memory_space<vmem>> -> memref<1x128x128xf32, #tpu.memory_space<vmem>>
      %dma_wait3A_263 = tpu.memref_squeeze %dma_wait3A_262 : memref<1x128x128xf32, #tpu.memory_space<vmem>> -> memref<128x128xf32, #tpu.memory_space<vmem>>
      %dma_wait3A_264 = arith.constant 0 : i32
      %dma_wait3A_265 = tpu.memref_slice %arg5[%dma_wait3A_258, %dma_wait3A_264] : memref<50x128xi32, #tpu.memory_space<vmem>> -> memref<1x128xi32, #tpu.memory_space<vmem>>
      %dma_wait3A_266 = tpu.memref_squeeze %dma_wait3A_265 : memref<1x128xi32, #tpu.memory_space<vmem>> -> memref<128xi32, #tpu.memory_space<vmem>>
      %dma_wait3A_267 = arith.constant 0 : i32
      %dma_wait3A_268 = arith.constant 0 : i32
      %dma_wait3A_269 = tpu.memref_slice %arg2[%dma_wait3A_267, %dma_wait3A_268] : memref<100000x128xf32, #tpu.memory_space<hbm>> -> memref<100000x128xf32, #tpu.memory_space<hbm>>
      tpu.wait_indirect_dma semaphore(%arg11 : memref<!tpu.dma_semaphore, #tpu.memory_space<semaphore_mem>>) src(%dma_wait3A_269 : memref<100000x128xf32, #tpu.memory_space<hbm>>) dst(%dma_wait3A_263 : memref<128x128xf32, #tpu.memory_space<vmem>>)
      %mul3A_270 = arith.constant 128 : i32
      %mul3A_271 = arith.muli %add3A_257, %mul3A_270 : i32
      %add3A_272 = arith.addi %mul3A_2, %mul3A_271 : i32
      %dma_start3A_273 = arith.constant 4 : i32
      %dma_start3A_274 = arith.constant 0 : i32
      %dma_start3A_275 = arith.constant 0 : i32
      %dma_start3A_276 = tpu.memref_slice %arg6[%dma_start3A_273, %dma_start3A_274, %dma_start3A_275] : memref<5x128x128xf32, #tpu.memory_space<vmem>> -> memref<1x128x128xf32, #tpu.memory_space<vmem>>
      %dma_start3A_277 = tpu.memref_squeeze %dma_start3A_276 : memref<1x128x128xf32, #tpu.memory_space<vmem>> -> memref<128x128xf32, #tpu.memory_space<vmem>>
      %dma_start3A_278 = arith.constant 0 : i32
      %dma_start3A_279 = tpu.memref_slice %arg4[%add3A_272, %dma_start3A_278] : memref<204800x128xf32, #tpu.memory_space<hbm>> -> memref<128x128xf32, #tpu.memory_space<hbm>>
      %dma_start3A_280 = arith.constant 0 : i32
      %dma_start3A_281 = tpu.memref_slice %arg4[%add3A_272, %dma_start3A_280] : memref<204800x128xf32, #tpu.memory_space<hbm>> -> memref<128x128xf32, #tpu.memory_space<hbm>>
      %dma_start3A_282 = arith.constant 0 : i32
      %dma_start3A_283 = arith.constant 0 : i32
      %dma_start3A_284 = tpu.memref_slice %arg6[%dma_start3A_273, %dma_start3A_282, %dma_start3A_283] : memref<5x128x128xf32, #tpu.memory_space<vmem>> -> memref<1x128x128xf32, #tpu.memory_space<vmem>>
      %dma_start3A_285 = tpu.memref_squeeze %dma_start3A_284 : memref<1x128x128xf32, #tpu.memory_space<vmem>> -> memref<128x128xf32, #tpu.memory_space<vmem>>
      tpu.enqueue_dma source(%dma_start3A_285 : memref<128x128xf32, #tpu.memory_space<vmem>>) target(%dma_start3A_281 : memref<128x128xf32, #tpu.memory_space<hbm>>) target_semaphore(%arg16 : memref<!tpu.dma_semaphore, #tpu.memory_space<semaphore_mem>>)
      %add3A_286 = arith.constant 3 : i32
      %add3A_287 = arith.addi %add3A_257, %add3A_286 : i32
      %lt3A_288 = arith.constant 50 : i32
      %lt3A_289 = arith.cmpi slt, %add3A_287, %lt3A_288 : i32
      %convert_element_type3A_290 = arith.extui %lt3A_289 : i1 to i32
      %cond3A_291 = arith.constant 0 : i32
      %cond3A_292 = arith.cmpi ne, %convert_element_type3A_290, %cond3A_291 : i32
      scf.if %cond3A_292 {
        %ge3A = arith.constant 5 : i32
        %ge3A_293 = arith.cmpi sge, %add3A_287, %ge3A : i32
        %convert_element_type3A_294 = arith.extui %ge3A_293 : i1 to i32
        %cond3A_295 = arith.constant 0 : i32
        %cond3A_296 = arith.cmpi ne, %convert_element_type3A_294, %cond3A_295 : i32
        scf.if %cond3A_296 {
          %dma_wait3A_308 = arith.constant 2 : i32
          %dma_wait3A_309 = arith.constant 0 : i32
          %dma_wait3A_310 = arith.constant 0 : i32
          %dma_wait3A_311 = tpu.memref_slice %arg6[%dma_wait3A_308, %dma_wait3A_309, %dma_wait3A_310] : memref<5x128x128xf32, #tpu.memory_space<vmem>> -> memref<1x128x128xf32, #tpu.memory_space<vmem>>
          %dma_wait3A_312 = tpu.memref_squeeze %dma_wait3A_311 : memref<1x128x128xf32, #tpu.memory_space<vmem>> -> memref<128x128xf32, #tpu.memory_space<vmem>>
          %dma_wait3A_313 = arith.constant 0 : i32
          %dma_wait3A_314 = tpu.memref_slice %arg4[%mul3A_2, %dma_wait3A_313] : memref<204800x128xf32, #tpu.memory_space<hbm>> -> memref<128x128xf32, #tpu.memory_space<hbm>>
          %dma_wait3A_315 = arith.constant 0 : i32
          %dma_wait3A_316 = tpu.memref_slice %arg4[%mul3A_2, %dma_wait3A_315] : memref<204800x128xf32, #tpu.memory_space<hbm>> -> memref<128x128xf32, #tpu.memory_space<hbm>>
          %dma_wait3A_317 = arith.constant 0 : i32
          %dma_wait3A_318 = arith.constant 0 : i32
          %dma_wait3A_319 = tpu.memref_slice %arg6[%dma_wait3A_308, %dma_wait3A_317, %dma_wait3A_318] : memref<5x128x128xf32, #tpu.memory_space<vmem>> -> memref<1x128x128xf32, #tpu.memory_space<vmem>>
          %dma_wait3A_320 = tpu.memref_squeeze %dma_wait3A_319 : memref<1x128x128xf32, #tpu.memory_space<vmem>> -> memref<128x128xf32, #tpu.memory_space<vmem>>
          tpu.wait_dma2 semaphore(%arg14 : memref<!tpu.dma_semaphore, #tpu.memory_space<semaphore_mem>>) src(%dma_wait3A_320 : memref<128x128xf32, #tpu.memory_space<vmem>>) dst(%dma_wait3A_316 : memref<128x128xf32, #tpu.memory_space<hbm>>)
        } else {
        }
        %dma_start3A_297 = arith.constant 2 : i32
        %dma_start3A_298 = arith.constant 0 : i32
        %dma_start3A_299 = arith.constant 0 : i32
        %dma_start3A_300 = tpu.memref_slice %arg6[%dma_start3A_297, %dma_start3A_298, %dma_start3A_299] : memref<5x128x128xf32, #tpu.memory_space<vmem>> -> memref<1x128x128xf32, #tpu.memory_space<vmem>>
        %dma_start3A_301 = tpu.memref_squeeze %dma_start3A_300 : memref<1x128x128xf32, #tpu.memory_space<vmem>> -> memref<128x128xf32, #tpu.memory_space<vmem>>
        %dma_start3A_302 = arith.constant 0 : i32
        %dma_start3A_303 = tpu.memref_slice %arg5[%add3A_287, %dma_start3A_302] : memref<50x128xi32, #tpu.memory_space<vmem>> -> memref<1x128xi32, #tpu.memory_space<vmem>>
        %dma_start3A_304 = tpu.memref_squeeze %dma_start3A_303 : memref<1x128xi32, #tpu.memory_space<vmem>> -> memref<128xi32, #tpu.memory_space<vmem>>
        %dma_start3A_305 = arith.constant 0 : i32
        %dma_start3A_306 = arith.constant 0 : i32
        %dma_start3A_307 = tpu.memref_slice %arg2[%dma_start3A_305, %dma_start3A_306] : memref<100000x128xf32, #tpu.memory_space<hbm>> -> memref<100000x128xf32, #tpu.memory_space<hbm>>
        tpu.enqueue_indirect_dma source(%dma_start3A_307 : memref<100000x128xf32, #tpu.memory_space<hbm>>) target(%dma_start3A_301 : memref<128x128xf32, #tpu.memory_space<vmem>>) offsets(%dma_start3A_304 : memref<128xi32, #tpu.memory_space<vmem>>) semaphore(%arg9 : memref<!tpu.dma_semaphore, #tpu.memory_space<semaphore_mem>>)
      } else {
      }
    }
    %scan3A_41 = arith.constant 10 : i32
    %dma_wait3A = arith.constant 0 : i32
    %dma_wait3A_42 = arith.constant 0 : i32
    %dma_wait3A_43 = arith.constant 0 : i32
    %dma_wait3A_44 = tpu.memref_slice %arg6[%dma_wait3A, %dma_wait3A_42, %dma_wait3A_43] : memref<5x128x128xf32, #tpu.memory_space<vmem>> -> memref<1x128x128xf32, #tpu.memory_space<vmem>>
    %dma_wait3A_45 = tpu.memref_squeeze %dma_wait3A_44 : memref<1x128x128xf32, #tpu.memory_space<vmem>> -> memref<128x128xf32, #tpu.memory_space<vmem>>
    %dma_wait3A_46 = arith.constant 0 : i32
    %dma_wait3A_47 = tpu.memref_slice %arg4[%mul3A_2, %dma_wait3A_46] : memref<204800x128xf32, #tpu.memory_space<hbm>> -> memref<128x128xf32, #tpu.memory_space<hbm>>
    %dma_wait3A_48 = arith.constant 0 : i32
    %dma_wait3A_49 = tpu.memref_slice %arg4[%mul3A_2, %dma_wait3A_48] : memref<204800x128xf32, #tpu.memory_space<hbm>> -> memref<128x128xf32, #tpu.memory_space<hbm>>
    %dma_wait3A_50 = arith.constant 0 : i32
    %dma_wait3A_51 = arith.constant 0 : i32
    %dma_wait3A_52 = tpu.memref_slice %arg6[%dma_wait3A, %dma_wait3A_50, %dma_wait3A_51] : memref<5x128x128xf32, #tpu.memory_space<vmem>> -> memref<1x128x128xf32, #tpu.memory_space<vmem>>
    %dma_wait3A_53 = tpu.memref_squeeze %dma_wait3A_52 : memref<1x128x128xf32, #tpu.memory_space<vmem>> -> memref<128x128xf32, #tpu.memory_space<vmem>>
    tpu.wait_dma2 semaphore(%arg12 : memref<!tpu.dma_semaphore, #tpu.memory_space<semaphore_mem>>) src(%dma_wait3A_53 : memref<128x128xf32, #tpu.memory_space<vmem>>) dst(%dma_wait3A_49 : memref<128x128xf32, #tpu.memory_space<hbm>>)
    %dma_wait3A_54 = arith.constant 1 : i32
    %dma_wait3A_55 = arith.constant 0 : i32
    %dma_wait3A_56 = arith.constant 0 : i32
    %dma_wait3A_57 = tpu.memref_slice %arg6[%dma_wait3A_54, %dma_wait3A_55, %dma_wait3A_56] : memref<5x128x128xf32, #tpu.memory_space<vmem>> -> memref<1x128x128xf32, #tpu.memory_space<vmem>>
    %dma_wait3A_58 = tpu.memref_squeeze %dma_wait3A_57 : memref<1x128x128xf32, #tpu.memory_space<vmem>> -> memref<128x128xf32, #tpu.memory_space<vmem>>
    %dma_wait3A_59 = arith.constant 0 : i32
    %dma_wait3A_60 = tpu.memref_slice %arg4[%mul3A_2, %dma_wait3A_59] : memref<204800x128xf32, #tpu.memory_space<hbm>> -> memref<128x128xf32, #tpu.memory_space<hbm>>
    %dma_wait3A_61 = arith.constant 0 : i32
    %dma_wait3A_62 = tpu.memref_slice %arg4[%mul3A_2, %dma_wait3A_61] : memref<204800x128xf32, #tpu.memory_space<hbm>> -> memref<128x128xf32, #tpu.memory_space<hbm>>
    %dma_wait3A_63 = arith.constant 0 : i32
    %dma_wait3A_64 = arith.constant 0 : i32
    %dma_wait3A_65 = tpu.memref_slice %arg6[%dma_wait3A_54, %dma_wait3A_63, %dma_wait3A_64] : memref<5x128x128xf32, #tpu.memory_space<vmem>> -> memref<1x128x128xf32, #tpu.memory_space<vmem>>
    %dma_wait3A_66 = tpu.memref_squeeze %dma_wait3A_65 : memref<1x128x128xf32, #tpu.memory_space<vmem>> -> memref<128x128xf32, #tpu.memory_space<vmem>>
    tpu.wait_dma2 semaphore(%arg13 : memref<!tpu.dma_semaphore, #tpu.memory_space<semaphore_mem>>) src(%dma_wait3A_66 : memref<128x128xf32, #tpu.memory_space<vmem>>) dst(%dma_wait3A_62 : memref<128x128xf32, #tpu.memory_space<hbm>>)
    %dma_wait3A_67 = arith.constant 2 : i32
    %dma_wait3A_68 = arith.constant 0 : i32
    %dma_wait3A_69 = arith.constant 0 : i32
    %dma_wait3A_70 = tpu.memref_slice %arg6[%dma_wait3A_67, %dma_wait3A_68, %dma_wait3A_69] : memref<5x128x128xf32, #tpu.memory_space<vmem>> -> memref<1x128x128xf32, #tpu.memory_space<vmem>>
    %dma_wait3A_71 = tpu.memref_squeeze %dma_wait3A_70 : memref<1x128x128xf32, #tpu.memory_space<vmem>> -> memref<128x128xf32, #tpu.memory_space<vmem>>
    %dma_wait3A_72 = arith.constant 0 : i32
    %dma_wait3A_73 = tpu.memref_slice %arg4[%mul3A_2, %dma_wait3A_72] : memref<204800x128xf32, #tpu.memory_space<hbm>> -> memref<128x128xf32, #tpu.memory_space<hbm>>
    %dma_wait3A_74 = arith.constant 0 : i32
    %dma_wait3A_75 = tpu.memref_slice %arg4[%mul3A_2, %dma_wait3A_74] : memref<204800x128xf32, #tpu.memory_space<hbm>> -> memref<128x128xf32, #tpu.memory_space<hbm>>
    %dma_wait3A_76 = arith.constant 0 : i32
    %dma_wait3A_77 = arith.constant 0 : i32
    %dma_wait3A_78 = tpu.memref_slice %arg6[%dma_wait3A_67, %dma_wait3A_76, %dma_wait3A_77] : memref<5x128x128xf32, #tpu.memory_space<vmem>> -> memref<1x128x128xf32, #tpu.memory_space<vmem>>
    %dma_wait3A_79 = tpu.memref_squeeze %dma_wait3A_78 : memref<1x128x128xf32, #tpu.memory_space<vmem>> -> memref<128x128xf32, #tpu.memory_space<vmem>>
    tpu.wait_dma2 semaphore(%arg14 : memref<!tpu.dma_semaphore, #tpu.memory_space<semaphore_mem>>) src(%dma_wait3A_79 : memref<128x128xf32, #tpu.memory_space<vmem>>) dst(%dma_wait3A_75 : memref<128x128xf32, #tpu.memory_space<hbm>>)
    %dma_wait3A_80 = arith.constant 3 : i32
    %dma_wait3A_81 = arith.constant 0 : i32
    %dma_wait3A_82 = arith.constant 0 : i32
    %dma_wait3A_83 = tpu.memref_slice %arg6[%dma_wait3A_80, %dma_wait3A_81, %dma_wait3A_82] : memref<5x128x128xf32, #tpu.memory_space<vmem>> -> memref<1x128x128xf32, #tpu.memory_space<vmem>>
    %dma_wait3A_84 = tpu.memref_squeeze %dma_wait3A_83 : memref<1x128x128xf32, #tpu.memory_space<vmem>> -> memref<128x128xf32, #tpu.memory_space<vmem>>
    %dma_wait3A_85 = arith.constant 0 : i32
    %dma_wait3A_86 = tpu.memref_slice %arg4[%mul3A_2, %dma_wait3A_85] : memref<204800x128xf32, #tpu.memory_space<hbm>> -> memref<128x128xf32, #tpu.memory_space<hbm>>
    %dma_wait3A_87 = arith.constant 0 : i32
    %dma_wait3A_88 = tpu.memref_slice %arg4[%mul3A_2, %dma_wait3A_87] : memref<204800x128xf32, #tpu.memory_space<hbm>> -> memref<128x128xf32, #tpu.memory_space<hbm>>
    %dma_wait3A_89 = arith.constant 0 : i32
    %dma_wait3A_90 = arith.constant 0 : i32
    %dma_wait3A_91 = tpu.memref_slice %arg6[%dma_wait3A_80, %dma_wait3A_89, %dma_wait3A_90] : memref<5x128x128xf32, #tpu.memory_space<vmem>> -> memref<1x128x128xf32, #tpu.memory_space<vmem>>
    %dma_wait3A_92 = tpu.memref_squeeze %dma_wait3A_91 : memref<1x128x128xf32, #tpu.memory_space<vmem>> -> memref<128x128xf32, #tpu.memory_space<vmem>>
    tpu.wait_dma2 semaphore(%arg15 : memref<!tpu.dma_semaphore, #tpu.memory_space<semaphore_mem>>) src(%dma_wait3A_92 : memref<128x128xf32, #tpu.memory_space<vmem>>) dst(%dma_wait3A_88 : memref<128x128xf32, #tpu.memory_space<hbm>>)
    %dma_wait3A_93 = arith.constant 4 : i32
    %dma_wait3A_94 = arith.constant 0 : i32
    %dma_wait3A_95 = arith.constant 0 : i32
    %dma_wait3A_96 = tpu.memref_slice %arg6[%dma_wait3A_93, %dma_wait3A_94, %dma_wait3A_95] : memref<5x128x128xf32, #tpu.memory_space<vmem>> -> memref<1x128x128xf32, #tpu.memory_space<vmem>>
    %dma_wait3A_97 = tpu.memref_squeeze %dma_wait3A_96 : memref<1x128x128xf32, #tpu.memory_space<vmem>> -> memref<128x128xf32, #tpu.memory_space<vmem>>
    %dma_wait3A_98 = arith.constant 0 : i32
    %dma_wait3A_99 = tpu.memref_slice %arg4[%mul3A_2, %dma_wait3A_98] : memref<204800x128xf32, #tpu.memory_space<hbm>> -> memref<128x128xf32, #tpu.memory_space<hbm>>
    %dma_wait3A_100 = arith.constant 0 : i32
    %dma_wait3A_101 = tpu.memref_slice %arg4[%mul3A_2, %dma_wait3A_100] : memref<204800x128xf32, #tpu.memory_space<hbm>> -> memref<128x128xf32, #tpu.memory_space<hbm>>
    %dma_wait3A_102 = arith.constant 0 : i32
    %dma_wait3A_103 = arith.constant 0 : i32
    %dma_wait3A_104 = tpu.memref_slice %arg6[%dma_wait3A_93, %dma_wait3A_102, %dma_wait3A_103] : memref<5x128x128xf32, #tpu.memory_space<vmem>> -> memref<1x128x128xf32, #tpu.memory_space<vmem>>
    %dma_wait3A_105 = tpu.memref_squeeze %dma_wait3A_104 : memref<1x128x128xf32, #tpu.memory_space<vmem>> -> memref<128x128xf32, #tpu.memory_space<vmem>>
    tpu.wait_dma2 semaphore(%arg16 : memref<!tpu.dma_semaphore, #tpu.memory_space<semaphore_mem>>) src(%dma_wait3A_105 : memref<128x128xf32, #tpu.memory_space<vmem>>) dst(%dma_wait3A_101 : memref<128x128xf32, #tpu.memory_space<hbm>>)
    return
  }
}

module attributes {stable_mosaic.version = 14 : i64} {
  func.func @_mlp_body(%arg0: i32, %arg1: memref<10000x256xf32, #tpu.memory_space<vmem>>, %arg2: memref<256x256xf32, #tpu.memory_space<vmem>>, %arg3: memref<1x256xf32, #tpu.memory_space<vmem>>, %arg4: memref<256x128xf32, #tpu.memory_space<vmem>>, %arg5: memref<1x128xf32, #tpu.memory_space<vmem>>, %arg6: memref<10000x128xf32, #tpu.memory_space<vmem>>) attributes {dimension_semantics = [#tpu.dimension_semantics<arbitrary>], iteration_bounds = array<i64: 10>, scalar_prefetch = 0 : i64, scratch_operands = 0 : i64, tpu.core_type = #tpu.core_type<tc>, window_params = [{transform_indices = @transform_0, window_bounds = array<i64: 10000, 256>}, {pipeline_mode = #tpu.pipeline_mode<synchronous>, transform_indices = @transform_1, window_bounds = array<i64: 256, 256>}, {pipeline_mode = #tpu.pipeline_mode<synchronous>, transform_indices = @transform_2, window_bounds = array<i64: 1, 256>}, {pipeline_mode = #tpu.pipeline_mode<synchronous>, transform_indices = @transform_3, window_bounds = array<i64: 256, 128>}, {pipeline_mode = #tpu.pipeline_mode<synchronous>, transform_indices = @transform_4, window_bounds = array<i64: 1, 128>}, {transform_indices = @transform_5, window_bounds = array<i64: 10000, 128>}]} {
    %get3A = arith.constant 0 : index
    %get3A_0 = arith.constant 0 : index
    %get3A_1 = vector.load %arg1[%get3A, %get3A_0] : memref<10000x256xf32, #tpu.memory_space<vmem>>, vector<10000x256xf32>
    %get3A_2 = arith.constant 0 : index
    %get3A_3 = arith.constant 0 : index
    %get3A_4 = vector.load %arg2[%get3A_2, %get3A_3] : memref<256x256xf32, #tpu.memory_space<vmem>>, vector<256x256xf32>
    %dot_general3A = arith.constant dense<0.000000e+00> : vector<10000x256xf32>
    %dot_general3A_5 = tpu.matmul %get3A_1, %get3A_4, %dot_general3A {dimension_numbers = #tpu.dot_dimension_numbers<[1], [0], [0], [1], [0, 0, 1, 1], [], []>, transpose_lhs_hint = false} : vector<10000x256xf32>, vector<256x256xf32>, vector<10000x256xf32> -> vector<10000x256xf32>
    %get3A_6 = arith.constant 0 : index
    %get3A_7 = arith.constant 0 : index
    %get3A_8 = vector.load %arg3[%get3A_6, %get3A_7] : memref<1x256xf32, #tpu.memory_space<vmem>>, vector<1x256xf32>
    %add3A = vector.broadcast %get3A_8 : vector<1x256xf32> to vector<10000x256xf32>
    %add3A_9 = arith.addf %dot_general3A_5, %add3A : vector<10000x256xf32>
    %max3A = arith.constant 0.000000e+00 : f32
    %max3A_10 = vector.broadcast %max3A : f32 to vector<10000x256xf32>
    %max3A_11 = arith.maximumf %add3A_9, %max3A_10 : vector<10000x256xf32>
    %get3A_12 = arith.constant 0 : index
    %get3A_13 = arith.constant 0 : index
    %get3A_14 = vector.load %arg4[%get3A_12, %get3A_13] : memref<256x128xf32, #tpu.memory_space<vmem>>, vector<256x128xf32>
    %dot_general3A_15 = arith.constant dense<0.000000e+00> : vector<10000x128xf32>
    %dot_general3A_16 = tpu.matmul %max3A_11, %get3A_14, %dot_general3A_15 {dimension_numbers = #tpu.dot_dimension_numbers<[1], [0], [0], [1], [0, 0, 1, 1], [], []>, transpose_lhs_hint = false} : vector<10000x256xf32>, vector<256x128xf32>, vector<10000x128xf32> -> vector<10000x128xf32>
    %get3A_17 = arith.constant 0 : index
    %get3A_18 = arith.constant 0 : index
    %get3A_19 = vector.load %arg5[%get3A_17, %get3A_18] : memref<1x128xf32, #tpu.memory_space<vmem>>, vector<1x128xf32>
    %add3A_20 = vector.broadcast %get3A_19 : vector<1x128xf32> to vector<10000x128xf32>
    %add3A_21 = arith.addf %dot_general3A_16, %add3A_20 : vector<10000x128xf32>
    %max3A_22 = arith.constant 0.000000e+00 : f32
    %max3A_23 = vector.broadcast %max3A_22 : f32 to vector<10000x128xf32>
    %max3A_24 = arith.maximumf %add3A_21, %max3A_23 : vector<10000x128xf32>
    %swap3A = arith.constant 0 : index
    %swap3A_25 = arith.constant 0 : index
    %swap3A_26 = vector.load %arg6[%swap3A, %swap3A_25] : memref<10000x128xf32, #tpu.memory_space<vmem>>, vector<10000x128xf32>
    tpu.vector_store %arg6[%swap3A, %swap3A_25], %max3A_24 {strides = array<i32>} : memref<10000x128xf32, #tpu.memory_space<vmem>>, vector<10000x128xf32>,
    return
  }
  func.func @transform_0(%arg0: i32) -> (i32, i32) {
    %c0_i32 = arith.constant 0 : i32
    %c0_i32_0 = arith.constant 0 : i32
    return %arg0, %c0_i32 : i32, i32
  }
  func.func @transform_1(%arg0: i32) -> (i32, i32) {
    %c0_i32 = arith.constant 0 : i32
    %c0_i32_0 = arith.constant 0 : i32
    %c0_i32_1 = arith.constant 0 : i32
    return %c0_i32, %c0_i32_0 : i32, i32
  }
  func.func @transform_2(%arg0: i32) -> (i32, i32) {
    %c0_i32 = arith.constant 0 : i32
    %c0_i32_0 = arith.constant 0 : i32
    %c0_i32_1 = arith.constant 0 : i32
    return %c0_i32, %c0_i32_0 : i32, i32
  }
  func.func @transform_3(%arg0: i32) -> (i32, i32) {
    %c0_i32 = arith.constant 0 : i32
    %c0_i32_0 = arith.constant 0 : i32
    %c0_i32_1 = arith.constant 0 : i32
    return %c0_i32, %c0_i32_0 : i32, i32
  }
  func.func @transform_4(%arg0: i32) -> (i32, i32) {
    %c0_i32 = arith.constant 0 : i32
    %c0_i32_0 = arith.constant 0 : i32
    %c0_i32_1 = arith.constant 0 : i32
    return %c0_i32, %c0_i32_0 : i32, i32
  }
  func.func @transform_5(%arg0: i32) -> (i32, i32) {
    %c0_i32 = arith.constant 0 : i32
    %c0_i32_0 = arith.constant 0 : i32
    return %arg0, %c0_i32 : i32, i32
  }
}

</mosaic_0001>

<sc_bundles>
// kernel: kernel.4.cloned.1.call-start
scs
__scs_entry_jumppad:
0x0: {  	(pc) =	sbr.rel $0x88, $3  }
0x1: {  	(tag) =	ssettag $0x0;
	lr =	simm.s32 $0x1  }
0x2: {  	[smem:$0x3F9B] =	sst lr;
	_ =	strace $0xD0000000  }
0x3: {  	_ = 	snop  }
0x4: {  	_ = 	snop  }
0x5: {  	_ = 	snop  }
0x6: {  	_ = 	snop  }
0x7: {  	_ = 	snop  }
__scs_overlays_trampoline_lowered:
0x8: {  	[smem:$0x3FAA] =	sst s0  }
0x9: {  	[smem:$0x3FAB] =	sst s1  }
0xa: {  	[smem:$0x3FAC] =	sst s2  }
0xb: {  	[smem:$0x3FAD] =	sst s3  }
0xc: {  	[smem:$0x3FAE] =	sst s4  }
0xd: {  	[smem:$0x3FAF] =	sst s5  }
0xe: {  	[smem:$0x3FB0] =	sst s6  }
0xf: {  	[smem:$0x3FB1] =	sst s7  }
0x10: {  	[smem:$0x3FB2] =	sst s8  }
0x11: {  	[smem:$0x3FB3] =	sst s9;
	s0 =	simm.s32 @!p0 $0x0  }
0x12: {  	s1 =	sld [smem:$0x3F99];
	s0 =	simm.s32 @p0 $0x1  }
0x13: {  	[smem:$0x3FB4] =	sst s0;
	s0 =	simm.s32 @!p1 $0x0  }
0x14: {  	s2 =	sld [smem:$0x3F98];
	s0 =	simm.s32 @p1 $0x1  }
0x15: {  	[smem:$0x3FB5] =	sst s0;
	s0 =	simm.s32 @!p2 $0x0  }
0x16: {  	s3 =	sld [smem:$0x3FDB];
	s0 =	simm.s32 @p2 $0x1  }
0x17: {  	s4 =	simm.s32 $0x1BF5;
	[smem:$0x3FB7] =	sst s0  }
0x18: {  	s0 =	sld [smem:$0x3F9A];
	_ =	swait.ge [sflag:s4], $0x0  }
0x19: {  	s7 =	sld [smem:$0x3F9B]  }
0x1a: {  	s8 =	sadd.s32 $0xFFFFE003, lr  }
0x1b: {  	s9 =	sadd.s32 $0xFFFFFEF7, lr;
	s5 =	simm.s32 $0xFFFFFFFF;
	p2 =	slt.u32 s8, $0xFFFFF086  }
0x1c: {  	p1 =	slt.u32 s9, $0xF7A;
	s5 =	simm.s32 @!p2 $0x0  }
0x1d: {  	s5 =	simm.s32 @p1 $0x1;
	p0 =	seq.s32 s7, s2  }
0x1e: {  	s7 =	smul.u32 @!p0 $0xF7A, s2;
	p2 =	seq.s32 @!p0 s5, $0x0  }
0x1f: {  	s9 =	smul.u32 $0xF7A, s1;
	s8 =	simm.s32 @!p0 $0x1BF5;
	p2 =	por !p2, p0  }
0x20: {  	[sflag:s8] =	ssyncset.s32 @!p0 $0xFFFFF086;
	s6 =	sadd.s32 @!p0 s3, s7;
	s7 =	simm.s32 @!p0 $0x108  }
0x21: {  	s3 =	sadd.s32 s3, s9;
	s6 =	sadd.s32 @!p0 $0x88, s6;
	s7 =	simm.s32 @p2 $0x1082  }
0x22: {  	[simem:s7], [sflag:s8] =	dma.local @!p0 [hbm:s6], $0xF7A  }
0x23: {  	s9 =	sor.u32 $0xD0000000, s2;
	s6 =	simm.s32 $0x108;
	_ =	swait.ge @!p0 [sflag:s8], $0x0  }
0x24: {  	s3 =	sadd.s32 $0x88, s3;
	s6 =	simm.s32 @!p1 $0x1082;
	[sflag:s4] =	ssyncset.s32 $0xFFFFF086  }
0x25: {  	[simem:s6], [sflag:s4] =	dma.local [hbm:s3], $0xF7A  }
0x26: {  	[smem:$0x3F9B] =	sst s1;
	(tag) =	ssettag s2;
	_ =	strace s9  }
0x27: {  	s1 =	sld [smem:$0x3FAB]  }
0x28: {  	s2 =	sld [smem:$0x3FAC]  }
0x29: {  	s4 =	sld [smem:$0x3FAE]  }
0x2a: {  	p0 =	seq.s32 s5, $0x0;
	s5 =	sld [smem:$0x3FAF]  }
0x2b: {  	s6 =	sld [smem:$0x3FB0]  }
0x2c: {  	s7 =	sld [smem:$0x3FB1]  }
0x2d: {  	s3 =	simm.s32 $0x108;
	s8 =	sld [smem:$0x3FB2]  }
0x2e: {  	s3 =	simm.s32 @!p0 $0x1082;
	s9 =	sld [smem:$0x3FB3]  }
0x2f: {  	lr =	sadd.s32 s0, s3;
	s0 =	sld [smem:$0x3FAA]  }
0x30: {  	s3 =	sld [smem:$0x3FAD]  }
0x31: {  	[smem:$0x3FB6] =	sst s10  }
0x32: {  	s10 =	sld [smem:$0x3FB4];
	_ =	sdelay $0x3  }
0x33: {  	p0 =	seq.s32 s10, $0x1;
	s10 =	sld [smem:$0x3FB6];
	_ =	sdelay $0x3  }
0x34: {  	[smem:$0x3FB6] =	sst s10  }
0x35: {  	s10 =	sld [smem:$0x3FB5];
	_ =	sdelay $0x3  }
0x36: {  	p1 =	seq.s32 s10, $0x1;
	s10 =	sld [smem:$0x3FB6];
	_ =	sdelay $0x3  }
0x37: {  	[smem:$0x3FB6] =	sst s10  }
0x38: {  	s10 =	sld [smem:$0x3FB7]  }
0x39: {  	_ = 	snop;
	(pc) =	sbr.ind lr, $3  }
0x3a: {  	_ = 	snop  }
0x3b: {  	_ = 	snop  }
0x3c: {  	p2 =	seq.s32 s10, $0x1;
	s10 =	sld [smem:$0x3FB6]  }
0x3d: {  	_ =	shalt  }
0x3e: {  	_ =	shalt  }
0x3f: {  	_ =	shalt  }
0x40: {  	_ =	shalt  }
0x41: {  	_ =	shalt  }
0x42: {  	_ =	shalt  }
0x43: {  	_ =	shalt  }
0x44: {  	_ =	shalt  }
0x45: {  	_ =	shalt  }
0x46: {  	_ =	shalt  }
0x47: {  	_ =	shalt  }
0x48: {  	_ =	shalt  }
0x49: {  	_ =	shalt  }
0x4a: {  	_ =	shalt  }
0x4b: {  	_ =	shalt  }
0x4c: {  	_ =	shalt  }
0x4d: {  	_ =	shalt  }
0x4e: {  	_ =	shalt  }
0x4f: {  	_ =	shalt  }
0x50: {  	_ =	shalt  }
0x51: {  	_ =	shalt  }
0x52: {  	_ =	shalt  }
0x53: {  	_ =	shalt  }
0x54: {  	_ =	shalt  }
0x55: {  	_ =	shalt  }
0x56: {  	_ =	shalt  }
0x57: {  	_ =	shalt  }
0x58: {  	_ =	shalt  }
0x59: {  	_ =	shalt  }
0x5a: {  	_ =	shalt  }
0x5b: {  	_ =	shalt  }
0x5c: {  	_ =	shalt  }
0x5d: {  	_ =	shalt  }
0x5e: {  	_ =	shalt  }
0x5f: {  	_ =	shalt  }
0x60: {  	_ =	shalt  }
0x61: {  	_ =	shalt  }
0x62: {  	_ =	shalt  }
0x63: {  	_ =	shalt  }
0x64: {  	_ =	shalt  }
0x65: {  	_ =	shalt  }
0x66: {  	_ =	shalt  }
0x67: {  	_ =	shalt  }
0x68: {  	_ =	shalt  }
0x69: {  	_ =	shalt  }
0x6a: {  	_ =	shalt  }
0x6b: {  	_ =	shalt  }
0x6c: {  	_ =	shalt  }
0x6d: {  	_ =	shalt  }
0x6e: {  	_ =	shalt  }
0x6f: {  	_ =	shalt  }
0x70: {  	_ =	shalt  }
0x71: {  	_ =	shalt  }
0x72: {  	_ =	shalt  }
0x73: {  	_ =	shalt  }
0x74: {  	_ =	shalt  }
0x75: {  	_ =	shalt  }
0x76: {  	_ =	shalt  }
0x77: {  	_ =	shalt  }
0x78: {  	_ =	shalt  }
0x79: {  	_ =	shalt  }
0x7a: {  	_ =	shalt  }
0x7b: {  	_ =	shalt  }
0x7c: {  	_ =	shalt  }
0x7d: {  	_ =	shalt  }
0x7e: {  	_ =	shalt  }
0x7f: {  	_ =	shalt  }
0x80: {  	_ =	shalt  }
0x81: {  	_ =	shalt  }
0x82: {  	_ =	shalt  }
0x83: {  	_ =	shalt  }
0x84: {  	_ =	shalt  }
0x85: {  	_ =	shalt  }
0x86: {  	_ =	shalt  }
0x87: {  	_ =	shalt  }
.Lfunc_end0:
.L_simem_size_0:
called_computation_lowered:
.L_overlay_start_0:
0x88: {  	s2 =	sld [smem:$0x3FD9]  }
0x89: {  	s3 =	sld [smem:$0x3FFE];
	_ =	sdelay $0x1  }
0x8a: {  	s1 =	srdreg.scid  }
0x8b: {  	s0 =	sand.u32 $0x1, s1  }
0x8c: {  	s17 =	sshll.u32 s0, $0xA;
	s2 =	sadd.s32 s3, s2  }
0x8d: {  	s2 =	sadd.s32 s2, s17  }
0x8e: {  	[smem:$0x3FC2] =	sst s2  }
0x8f: {  	_ = 	snop  }
0x90: {  	s2 =	sld [smem:$0x3FD0];
	(tm) =	ssettm $0x1  }
0x91: {  	s18 =	sld [smem:$0x3FFB];
	_ =	sdelay $0x3  }
0x92: {  	_ =	strace s18  }
0x93: {  	s3 =	sld [smem:$0x3FFC];
	_ =	sdelay $0x3  }
0x94: {  	_ =	strace s3  }
0x95: {  	s3 =	sld [smem:$0x3FFD];
	_ =	sdelay $0x3  }
0x96: {  	_ =	strace s3  }
0x97: {  	_ =	strace $0x8FFFFFFF  }
0x98: {  	s19 =	sld [smem:$0x3FDB];
	_ =	sdelay $0x1  }
0x99: {  	s4 =	simm.s32 $_scs_section_size  }
0x9a: {  	s5 =	simm.s32 $_size__tile_overlayer_lowered;
	s6 =	simm.s32 $_tile_overlayer_lowered  }
0x9b: {  	s22 =	simm.s32 $0x1BFF;
	s21 =	sshll.u32 s6, $0x1;
	s3 =	sadd.s32 s4, s19  }
0x9c: {  	s7 =	simm.s32 $0x0;
	s20 =	sshll.u32 s5, $0x1;
	s5 =	sadd.s32 s21, s3  }
0x9d: {  	[timem:s7], [sflag:s22] =	dma.local [hbm:s5], s20  }
0x9e: {  	_ =	swait.ge [sflag:s22], s20  }
0x9f: {  	s4 =	ssub.s32 $0x0, s20;
	[sflag:s22] =	ssyncset.done $0x0  }
0xa0: {  	[sflag:s22] =	ssyncadd.s32 s4;
	_ =	sdelay $0x1  }
0xa1: {  	s23 =	simm.s32 $0x1B8B  }
0xa2: {  	_ =	swait.ge [sflag:s23], $0x1  }
0xa3: {  	[sflag:s23] =	ssyncset.done $0x0  }
0xa4: {  	s25 =	simm.s32 $0x1B8E;
	s24 =	sld [smem:$0x3FFE];
	[sflag:s23] =	ssyncadd.s32 $0xFFFFFFFF  }
0xa5: {  	s26 =	simm.s32 $execute0_lowered;
	[smem:$0x3FD2] =	sst s25  }
0xa6: {  	s5 =	sshll.u32 s26, $0x1;
	_ =	strace $0x80000046;
	[dreg:$0x1] =	wrdreg $0xFFFFFFFF  }
0xa7: {  	s28 =	simm.s32 $_size_execute0_lowered;
	s3 =	sadd.s32 s3, s5;
	[dreg:$0x0] =	wrdreg $0x0  }
0xa8: {  	s5 =	sshll.u32 s28, $0x1;
	[dreg:$0x2] =	wrdreg s3  }
0xa9: {  	[dreg:$0x3] =	wrdreg s5  }
0xaa: {  	[dreg:$0x4] =	wrdreg $0xC0  }
0xab: {  	_ =	task [dreg:s7], $0x5FFFF  }
0xac: {  	[dreg:$0x1] =	wrdreg $0xFFFFFFFF  }
0xad: {  	[dreg:$0x0] =	wrdreg $0x60  }
0xae: {  	[dreg:$0x2] =	wrdreg s24  }
0xaf: {  	[dreg:$0x3] =	wrdreg s2  }
0xb0: {  	[dreg:$0x4] =	wrdreg $0x9  }
0xb1: {  	_ =	task.clear_ibuf [dreg:s7], $0x5FFFF;
	_ =	strace $0x90000046  }
0xb2: {  	s29 =	simm.s32 $0x9;
	_ =	strace $0x80000048  }
0xb3: {  	_ =	swait.ge [sflag:s29], $0x1  }
0xb4: {  	[sflag:s29] =	ssyncadd.s32 $0xFFFFFFFF  }
0xb5: {  	_ =	strace $0x90000048  }
0xb6: {  	_ =	sfence  }
0xb7: {  	s30 =	sld [smem:$0x0];
	_ =	sdelay $0x2  }
0xb8: {  	s31 =	sshll.u32 s1, $0xD;
	s1 =	sshrl.u32 s1, $0x2  }
0xb9: {  	s3 =	sand.u32 $0x4000, s31;
	s1 =	sadd.s32 s1, s30  }
0xba: {  	s0 =	sor.u32 s3, s0;
	s1 =	sshll.u32 s1, $0x11  }
0xbb: {  	s0 =	sor.u32 s1, s0  }
0xbc: {  	s0 =	sadd.s32 $0x8F2B, s0  }
0xbd: {  	[sflag:s0] =	ssyncadd.remote.s32 $0x1  }
0xbe: {  	_ =	sfence.sel $0xFFFF  }
0xbf: {  	[dreg:$0x0] =	wrdreg $0xFFFFFFFF;
	(pc) =	sbr.abs _section_cstart, $3  }
0xc0: {  	[dreg:$0x1] =	wrdreg $0xFFFFFFFF  }
0xc1: {  	_ =	task.clear_ibuf [dreg:s7], $0x2FFFF;
	_ =	strace $0x9FFFFFFF  }
0xc2: {  	(tm) =	ssettm $0x7FFFFFFF  }
0xc3: {  	_ =	shalt  }
tec
execute0_lowered:
.L_overlay_start_1:
0x0: {  	(tag) =	ssettag $0x1  }
0x1: {  	s1 =	srdreg.scid;
	s0 =	stileid.u32  }
0x2: {  	s5 =	rddreg [dreg:$0x0];
	s12 =	simm.s32 $0x1C00;
	s13 =	simm.s32 $0x5C00  }
0x3: {  	s15 =	simm.s32 $0x9C00;
	s16 =	simm.s32 $0x1;
	s17 =	simm.s32 $0xDC00  }
0x4: {  	s18 =	simm.s32 $0x2;
	s19 =	simm.s32 $0x11C00;
	s20 =	simm.s32 $0x3  }
0x5: {  	s21 =	simm.s32 $0x4;
	s22 =	simm.s32 $0x5;
	s23 =	simm.s32 $0x6  }
0x6: {  	s24 =	simm.s32 $0x7;
	s28 =	simm.s32 $0xA;
	s7 =	smul.u32 $0x32000, s0  }
0x7: {  	s1 =	sand.u32 $0x1, s1;
	s3 =	sshll.u32 s0, $0x1;
	s9 =	smul.u32 $0x190000, s0  }
0x8: {  	s29 =	simm.s32 $0x0;
	s4 =	sor.u32 s1, s3;
	s11 =	smul.u32 $0xC8000, s1  }
0x9: {  	s3 =	simm.s32 $0x0;
	s8 =	ssub.s32 $0x2, s1;
	s1 =	smul.u32 $0x19000, s1  }
0xa: {  	s6 =	smul.u32 $0x380, s4;
	[smem:$0x7FF] =	sst s3;
	s10 =	sshrl.u32 s8, $0x1  }
0xb: {  	s4 =	sadd.s32 $0x7C00, s5;
	_ =	strace $0x80000047;
	s25 =	ssub.s32 s8, s10  }
.Ltmp0:
0xc: {  	s30 =	sadd.s32 s11, s9;
	s7 =	sadd.s32 s1, s7;
	(pc) =	sbr.rel .LBB2_1-.Ltmp0, $4  }
0xd: {  	s10 =	simm.s32 $0xB;
	s11 =	simm.s32 $0x80;
	s5 =	sadd.s32 s6, s5  }
0xe: {  	s6 =	smax.u32 s25, $0x1;
	s31 =	sadd.s32 $0x10000, s30;
	s9 =	sadd.s32 $0xC000, s30  }
0xf: {  	s25 =	simm.s32 $0x8;
	s26 =	sadd.s32 $0xC00, s5;
	s8 =	sshrl.u32 s31, $0x3  }
0x10: {  	s9 =	sshrl.u32 s9, $0x3;
	[dreg:$0x3] =	wrdreg s26;
	s26 =	simm.s32 $0x9  }
.LBB2_4:
0x11: {  	_ =	swait.ge [sflag:s23], $0x4000  }
0x12: {  	[sflag:s23] =	ssyncset.done $0x0  }
0x13: {  	[sflag:s23] =	ssyncadd.s32 $0xFFFFC000  }
0x14: {  	_ =	swait.ge [sflag:s24], $0x4000  }
0x15: {  	[sflag:s24] =	ssyncset.done $0x0  }
0x16: {  	[sflag:s24] =	ssyncadd.s32 $0xFFFFC000  }
0x17: {  	_ =	swait.ge [sflag:s25], $0x4000  }
0x18: {  	[sflag:s25] =	ssyncset.done $0x0  }
0x19: {  	s29 =	sadd.s32 $0x1, s29;
	[sflag:s25] =	ssyncadd.s32 $0xFFFFC000  }
0x1a: {  	p0 =	sne.s32 s29, s6;
	_ =	swait.ge [sflag:s26], $0x4000  }
.Ltmp1:
0x1b: {  	[sflag:s26] =	ssyncset.done $0x0;
	(pc) =	sbr.rel @!p0 .LBB2_5-.Ltmp1, $4  }
0x1c: {  	[sflag:s26] =	ssyncadd.s32 $0xFFFFC000  }
0x1d: {  	_ =	swait.ge [sflag:s28], $0x4000  }
0x1e: {  	[sflag:s28] =	ssyncset.done $0x0  }
0x1f: {  	[sflag:s28] =	ssyncadd.s32 $0xFFFFC000  }
.LBB2_1:
0x20: {  	s0 =	rddreg [dreg:$0x3]  }
0x21: {  	[tilespmem:s3], [sflag:$0xB] =	stream.linear.gather [hbm4b:s0+s3], $0x1900, $0x38;
	[tilespmem:$0x15C00] =	vst v63  }
0x22: {  	_ =	swait.ge [sflag:s10], $0x1900  }
0x23: {  	[sflag:s10] =	ssyncset.done $0x0  }
0x24: {  	[sflag:s10] =	ssyncadd.s32 $0xFFFFE700  }
0x25: {  	[tilespmem:s12], [sflag:$0x1] =	stream.indirect.gather [hbm4b:s4+s11], $0x80, s3, s11, $0xb8;
	[tilespmem:$0x15C00] =	vst v63  }
0x26: {  	_ = 	snop  }
0x27: {  	[tilespmem:s13], [sflag:$0x2] =	stream.indirect.gather [hbm4b:s4+s11], $0x80, s11, s11, $0xb8;
	[tilespmem:$0x15C00] =	vst v63  }
0x28: {  	s14 =	simm.s32 $0x100;
	s31 =	simm.s32 $0x0;
	s30 =	rddreg [dreg:$0x1]  }
0x29: {  	[tilespmem:s15], [sflag:$0x3] =	stream.indirect.gather [hbm4b:s4+s11], $0x80, s14, s11, $0xb8;
	[tilespmem:$0x15C00] =	vst v63  }
.LBB2_2:
0x2a: {  	_ =	swait.ge [sflag:s16], $0x4000  }
0x2b: {  	p0 =	seq.s32 s31, $0x0;
	[sflag:s16] =	ssyncset.done $0x0  }
0x2c: {  	s0 =	sadd.s32 s30, s7;
	s2 =	simm.s32 @!p0 $0x9;
	[sflag:s16] =	ssyncadd.s32 $0xFFFFC000  }
0x2d: {  	[hbm4b:s0+s3] =	stream.linear.scatter [tilespmem:s12], [sflag:$0x6], $0x4000, $0x38;
	[tilespmem:$0x15C00] =	vst v63  }
0x2e: {  	_ =	swait.ge @!p0 [sflag:s2], $0x4000  }
0x2f: {  	s1 =	sshra.s32 s31, $0x2;
	[sflag:s2] =	ssyncset.done @!p0 $0x0  }
0x30: {  	s14 =	sadd.s32 $0x180, s1;
	[sflag:s2] =	ssyncadd.s32 @!p0 $0xFFFFC000  }
0x31: {  	[tilespmem:s17], [sflag:$0x4] =	stream.indirect.gather [hbm4b:s4+s11], $0x80, s14, s11, $0xb8;
	[tilespmem:$0x15C00] =	vst v63  }
0x32: {  	_ =	swait.ge [sflag:s18], $0x4000  }
0x33: {  	[sflag:s18] =	ssyncset.done $0x0  }
0x34: {  	s5 =	sadd.s32 $0x800, s0;
	s2 =	simm.s32 @!p0 $0xA;
	[sflag:s18] =	ssyncadd.s32 $0xFFFFC000  }
0x35: {  	[hbm4b:s5+s3] =	stream.linear.scatter [tilespmem:s13], [sflag:$0x7], $0x4000, $0x38;
	[tilespmem:$0x15C00] =	vst v63  }
0x36: {  	_ =	swait.ge @!p0 [sflag:s2], $0x4000  }
0x37: {  	[sflag:s2] =	ssyncset.done @!p0 $0x0  }
0x38: {  	s14 =	sadd.s32 $0x200, s1;
	[sflag:s2] =	ssyncadd.s32 @!p0 $0xFFFFC000  }
0x39: {  	[tilespmem:s19], [sflag:$0x5] =	stream.indirect.gather [hbm4b:s4+s11], $0x80, s14, s11, $0xb8;
	[tilespmem:$0x15C00] =	vst v63  }
0x3a: {  	_ =	swait.ge [sflag:s20], $0x4000  }
0x3b: {  	[sflag:s20] =	ssyncset.done $0x0  }
0x3c: {  	s0 =	sadd.s32 $0x1000, s0;
	p0 =	seq.s32 s31, $0x5A00;
	[sflag:s20] =	ssyncadd.s32 $0xFFFFC000  }
0x3d: {  	[hbm4b:s0+s3] =	stream.linear.scatter [tilespmem:s15], [sflag:$0x8], $0x4000, $0x38;
	[tilespmem:$0x15C00] =	vst v63  }
0x3e: {  	s0 =	simm.s32 @!p0 $0x6  }
0x3f: {  	_ =	swait.ge @!p0 [sflag:s0], $0x4000  }
0x40: {  	[sflag:s0] =	ssyncset.done @!p0 $0x0  }
0x41: {  	[sflag:s0] =	ssyncadd.s32 @!p0 $0xFFFFC000;
	s0 =	sshra.s32 @!p0 s31, $0x2  }
0x42: {  	s14 =	simm.s32 @!p0 $0x80;
	s5 =	simm.s32 @!p0 $0x1C00;
	s2 =	sadd.s32 @!p0 $0x280, s0  }
0x43: {  	[tilespmem:s5], [sflag:$0x1] =	stream.indirect.gather @!p0 [hbm4b:s4+s14], $0x80, s2, s14, $0xb8;
	[tilespmem:$0x15C00] =	vst v63  }
0x44: {  	_ =	swait.ge [sflag:s21], $0x4000  }
0x45: {  	[sflag:s21] =	ssyncset.done $0x0  }
0x46: {  	s5 =	sadd.s32 s30, s9;
	s2 =	simm.s32 @!p0 $0x7;
	[sflag:s21] =	ssyncadd.s32 $0xFFFFC000  }
0x47: {  	[hbm4b:s5+s3] =	stream.linear.scatter [tilespmem:s17], [sflag:$0x9], $0x4000, $0x38;
	[tilespmem:$0x15C00] =	vst v63  }
0x48: {  	_ =	swait.ge @!p0 [sflag:s2], $0x4000  }
0x49: {  	[sflag:s2] =	ssyncset.done @!p0 $0x0  }
0x4a: {  	s0 =	sadd.s32 @!p0 $0x300, s0;
	[sflag:s2] =	ssyncadd.s32 @!p0 $0xFFFFC000;
	s2 =	simm.s32 @!p0 $0x5C00  }
0x4b: {  	[tilespmem:s2], [sflag:$0x2] =	stream.indirect.gather @!p0 [hbm4b:s4+s14], $0x80, s0, s14, $0xb8;
	[tilespmem:$0x15C00] =	vst v63  }
.Ltmp2:
0x4c: {  	_ = 	snop;
	(pc) =	sbr.rel @p0 .LBB2_4-.Ltmp2, $4  }
0x4d: {  	_ =	swait.ge [sflag:s22], $0x4000  }
0x4e: {  	[sflag:s22] =	ssyncset.done $0x0  }
0x4f: {  	s14 =	sadd.s32 s30, s8;
	[sflag:s22] =	ssyncadd.s32 $0xFFFFC000  }
0x50: {  	[hbm4b:s14+s3] =	stream.linear.scatter [tilespmem:s19], [sflag:$0xA], $0x4000, $0x38;
	[tilespmem:$0x15C00] =	vst v63  }
.Ltmp3:
0x51: {  	(pc) =	sbr.rel .LBB2_2-.Ltmp3, $4  }
0x52: {  	_ =	swait.ge [sflag:s25], $0x4000  }
0x53: {  	s0 =	sadd.s32 $0x380, s1;
	[sflag:s25] =	ssyncset.done $0x0  }
0x54: {  	s31 =	sadd.s32 $0xA00, s31;
	s30 =	sadd.s32 $0x2800, s30;
	[sflag:s25] =	ssyncadd.s32 $0xFFFFC000  }
0x55: {  	[tilespmem:s15], [sflag:$0x3] =	stream.indirect.gather [hbm4b:s4+s11], $0x80, s0, s11, $0xb8;
	[tilespmem:$0x15C00] =	vst v63  }
.LBB2_5:
0x56: {  	_ =	sfence.sel $0x180000  }
0x57: {  	[bflag:$0x0] =	sbarrier.arrive $0xFFFF  }
0x58: {  	_ =	strace $0x90000047  }
0x59: {  	s0 =	stileid.u32;
	[bflag:$0x2] =	sbarrier.arrive $0xFFFF  }
0x5a: {  	p0 =	sne.s32 s0, $0x0;
	s0 =	rddreg [dreg:$0x2]  }
0x5b: {  	s0 =	sadd.s32 @!p0 $0x100000, s0  }
0x5c: {  	[sflag:s0] =	ssyncadd.tile.s32 @!p0 $0x1;
	_ =	shalt  }
.Lfunc_end2:
_tile_overlayer_lowered:
.L_overlay_start_2:
0x5d: {  	(tag) =	ssettag $0x2  }
0x5e: {  	s0 =	rddreg [dreg:$0x0];
	s2 =	stileid.u32  }
0x5f: {  	s1 =	rddreg [dreg:$0x1];
	p0 =	sne.s32 s2, $0x0  }
0x60: {  	s3 =	rddreg [dreg:$0x2];
	[bflag:$0x3] =	sbarrier.arrive $0xFFFF;
	s2 =	simm.s32 @!p0 $0x1C0B  }
0x61: {  	[timem:s3], [sflag:s2] =	dma.local @!p0 [hbm:s0], s1  }
0x62: {  	s0 =	simm.s32 @!p0 $0xB  }
0x63: {  	_ =	swait.ge @!p0 [sflag:s0], s1  }
0x64: {  	s1 =	ssub.s32 @!p0 $0x0, s1;
	[sflag:s0] =	ssyncset.done @!p0 $0x0  }
0x65: {  	[sflag:s0] =	ssyncadd.s32 @!p0 s1  }
0x66: {  	[bflag:$0x3] =	sbarrier.arrive $0xFFFF  }
0x67: {  	_ =	shalt  }

</sc_bundles>
